<compile_context>
chip_gen: v7x
topology: tpu7x:2x2x1
jax: 0.10.2.dev20260603
libtpu: 0.0.44.dev20260713+nightly
codegen_flags: <defaults>
</compile_context>

<pallas_src>
import jax
import jax.numpy as jnp
from jax import lax
from jax.experimental import pallas as pl
from jax.experimental.pallas import tpu as pltpu
from jax.experimental.pallas import tpu_sc as plsc

A = 589824
EPS = 1e-7
NC = 2
NS = 16
NW = NC * NS

TOTAL_ROWS = A * 4 // 128
LBL_ROWS = A // 128

SC_A = 262144
SC_PER_W = SC_A // NW
CHUNK = SC_PER_W // 4
NCHUNK = SC_PER_W // CHUNK
GROUPS = CHUNK // 16

SC_ROWS = SC_A * 4 // 128
BR = 1024
BL = BR // 4
TC_STEPS = (TOTAL_ROWS - SC_ROWS) // BR
TC_ROW0 = SC_ROWS
TC_LROW0 = SC_A // 128


def _sc_body(out_hbm, tgt_hbm, lbl_hbm, res_hbm,
             obuf0, tbuf0, lbuf0, obuf1, tbuf1, lbuf1, res_v,
             sem0, sem1):
    wid = lax.axis_index("s") * NC + lax.axis_index("c")
    a_base = wid * SC_PER_W
    bufs = ((obuf0, tbuf0, lbuf0, sem0), (obuf1, tbuf1, lbuf1, sem1))

    def issue(c):
        ob, tb, lb, sem = bufs[c % 2]
        astart = a_base + c * CHUNK
        return (
            pltpu.async_copy(out_hbm.at[pl.ds(astart * 4, CHUNK * 4)], ob, sem),
            pltpu.async_copy(tgt_hbm.at[pl.ds(astart * 4, CHUNK * 4)], tb, sem),
            pltpu.async_copy(lbl_hbm.at[pl.ds(astart, CHUNK)], lb, sem),
        )

    pending = [issue(0), issue(1)]

    zero = jnp.zeros((16,), jnp.float32)
    one = jnp.ones((16,), jnp.float32)
    a_acc, p_acc, v_acc = zero, zero, zero

    for c in range(NCHUNK):
        for d in pending[c]:
            d.wait()
        ob, tb, lb, _ = bufs[c % 2]

        def jbody(j, carry, ob=ob, tb=tb, lb=lb):
            aa, pa, va = carry
            base = ((j >> 3) << 9) + ((j & 7) << 4)
            lbl16 = lb[pl.ds(j * 16, 16)]
            m16 = jnp.where(lbl16 > 0.0, one, zero)
            pa = pa + m16
            va = va + jnp.where(lbl16 != -1.0, one, zero)
            s = zero
            for k in range(4):
                o = ob[pl.ds(base + k * 128, 16)]
                t = tb[pl.ds(base + k * 128, 16)]
                diff = jnp.abs(o - t)
                md = jnp.minimum(diff, 1.0)
                s = s + md * (diff + diff - md)
            aa = aa + m16 * s
            return aa, pa, va

        a_acc, p_acc, v_acc = plsc.parallel_loop(
            0, GROUPS, unroll=2, carry=(a_acc, p_acc, v_acc))(jbody)

        nxt = c + 2
        if nxt < NCHUNK:
            pending.append(issue(nxt))

    res_v[pl.ds(0, 16)] = a_acc
    res_v[pl.ds(16, 16)] = p_acc
    res_v[pl.ds(32, 16)] = v_acc
    pltpu.sync_copy(res_v, res_hbm.at[wid])


def _tc_body(dref, tref, lref, oref,
             db0, tb0, lb0, db1, tb1, lb1, sem0, sem1):
    bufs = ((db0, tb0, lb0, sem0), (db1, tb1, lb1, sem1))

    def issue(s):
        db, tb, lb, sem = bufs[s % 2]
        r0 = TC_ROW0 + s * BR
        l0 = TC_LROW0 + s * BL
        return (
            pltpu.async_copy(dref.at[pl.ds(r0, BR), :], db, sem),
            pltpu.async_copy(tref.at[pl.ds(r0, BR), :], tb, sem),
            pltpu.async_copy(lref.at[pl.ds(l0, BL), :], lb, sem),
        )

    pending = [issue(s) for s in range(min(2, TC_STEPS))]
    arow = jnp.zeros((128,), jnp.float32)
    prow = jnp.zeros((128,), jnp.float32)
    vrow = jnp.zeros((128,), jnp.float32)

    for s in range(TC_STEPS):
        for dsc in pending[s]:
            dsc.wait()
        db, tb, lb, _ = bufs[s % 2]
        lbl = lb[...]
        m = jnp.where(lbl > 0.0, 1.0, 0.0)
        mexp = jnp.reshape(
            jnp.broadcast_to(m[:, None, :], (BL, 4, 128)), (BR, 128))
        d = jnp.abs(db[...] - tb[...])
        md = jnp.minimum(d, 1.0)
        s2 = md * (d + d - md)
        arow = arow + jnp.sum(mexp * s2, axis=0)
        prow = prow + jnp.sum(m, axis=0)
        vrow = vrow + jnp.sum(jnp.where(lbl != -1.0, 1.0, 0.0), axis=0)
        if s + 2 < TC_STEPS:
            pending.append(issue(s + 2))

    oref[...] = jnp.zeros_like(oref)
    oref[0, :] = arow
    oref[1, :] = prow
    oref[2, :] = vrow


@jax.jit
def _rpn_loss(out_flat, tgt_flat, lbl_flat):
    mesh = plsc.VectorSubcoreMesh(core_axis_name="c", subcore_axis_name="s")
    sc_partials = pl.kernel(
        _sc_body,
        mesh=mesh,
        out_type=jax.ShapeDtypeStruct((NW, 48), jnp.float32),
        scratch_types=[
            pltpu.VMEM((CHUNK * 4,), jnp.float32),
            pltpu.VMEM((CHUNK * 4,), jnp.float32),
            pltpu.VMEM((CHUNK,), jnp.float32),
            pltpu.VMEM((CHUNK * 4,), jnp.float32),
            pltpu.VMEM((CHUNK * 4,), jnp.float32),
            pltpu.VMEM((CHUNK,), jnp.float32),
            pltpu.VMEM((48,), jnp.float32),
            pltpu.SemaphoreType.DMA,
            pltpu.SemaphoreType.DMA,
        ],
    )(out_flat, tgt_flat, lbl_flat)

    d2 = pltpu.with_memory_space_constraint(
        jnp.reshape(out_flat, (TOTAL_ROWS, 128)), pltpu.MemorySpace.HBM)
    t2 = pltpu.with_memory_space_constraint(
        jnp.reshape(tgt_flat, (TOTAL_ROWS, 128)), pltpu.MemorySpace.HBM)
    l2 = pltpu.with_memory_space_constraint(
        jnp.reshape(lbl_flat, (LBL_ROWS, 128)), pltpu.MemorySpace.HBM)
    tc_partials = pl.pallas_call(
        _tc_body,
        in_specs=[
            pl.BlockSpec(memory_space=pl.ANY),
            pl.BlockSpec(memory_space=pl.ANY),
            pl.BlockSpec(memory_space=pl.ANY),
        ],
        out_specs=pl.BlockSpec(memory_space=pltpu.VMEM),
        out_shape=jax.ShapeDtypeStruct((8, 128), jnp.float32),
        scratch_shapes=[
            pltpu.VMEM((BR, 128), jnp.float32),
            pltpu.VMEM((BR, 128), jnp.float32),
            pltpu.VMEM((BL, 128), jnp.float32),
            pltpu.VMEM((BR, 128), jnp.float32),
            pltpu.VMEM((BR, 128), jnp.float32),
            pltpu.VMEM((BL, 128), jnp.float32),
            pltpu.SemaphoreType.DMA,
            pltpu.SemaphoreType.DMA,
        ],
    )(d2, t2, l2)

    a = 0.5 * (jnp.sum(sc_partials[:, 0:16]) + jnp.sum(tc_partials[0, :]))
    pos = jnp.sum(sc_partials[:, 16:32]) + jnp.sum(tc_partials[1, :])
    val = jnp.sum(sc_partials[:, 32:48]) + jnp.sum(tc_partials[2, :])
    return a / (pos + EPS * val)


def kernel(output, target, labels):
    out_flat = jnp.reshape(
        jnp.transpose(jnp.reshape(output, (A // 128, 128, 4)), (0, 2, 1)),
        (-1,))
    tgt_flat = jnp.reshape(
        jnp.transpose(jnp.reshape(target, (A // 128, 128, 4)), (0, 2, 1)),
        (-1,))
    lbl_flat = jnp.reshape(labels, (-1,))
    return _rpn_loss(out_flat, tgt_flat, lbl_flat)

# --- scband reference (transcript-rebuilt; emitter-appended) ---
"""Pipeline reference for scband-rpnregression-loss-4037269258421 (READ-ONLY COPY).

The authoritative reference and input builder live on the scoring server;
editing this copy changes nothing except your own understanding.
"""

import jax, jax.numpy as jnp
import numpy as np

A = 589824  # 256*256 grid * 9 anchors
EPS = 1e-7


def smooth_l1_anchored(output, target):
    # keras_rcnn.backend.smooth_l1(..., anchored=True): per-anchor sum over last axis
    difference = jnp.abs(output - target)
    p = difference < 1.0
    q = 0.5 * jnp.square(difference)
    r = difference - 0.5
    loss = jnp.where(p, q, r)
    return jnp.sum(loss, axis=-1)


def setup_inputs(seed: int = 0) -> dict:
    key = jax.random.key(seed)
    k1, k2, k3 = jax.random.split(key, 3)
    output = jax.random.normal(k1, (1, A, 4), dtype=jnp.float32)
    target = jax.random.normal(k2, (1, A, 4), dtype=jnp.float32)
    # labels in {-1, 0, 1}: -1 = ignore, 0 = negative, 1 = positive (float, as in keras)
    labels = jax.random.randint(k3, (1, A), -1, 2).astype(jnp.float32)
    return {"output": output, "target": target, "labels": labels}


def reference(output, target, labels):
    # Faithful translation of RPNRegressionLoss.compute_loss.
    # Original gathers entries where labels != -1 via where/gather_nd; here the
    # dynamic gather is expressed as an equivalent static-shape mask (identical math).
    output = jnp.reshape(output, (1, -1, 4))
    valid = jnp.not_equal(labels, -1.0).astype(jnp.float32)  # [1, A], gather_nd selection mask
    p_star_i = jnp.where(labels > 0.0, jnp.ones_like(labels), jnp.zeros_like(labels))  # [1, A]
    a_y = smooth_l1_anchored(output, target)  # [1, A]
    a = jnp.sum(valid * p_star_i * a_y)
    b = jnp.sum(valid * (p_star_i + EPS))
    loss = 1.0 * (a / b)
    return loss

if __name__ == "__main__":
    import jax
    _d = setup_inputs()
    print(jax.jit(kernel)(*tuple(_d.values())))

</pallas_src>

<mosaic_0001>
#map = affine_map<(d0, d1) -> (0)>
#map1 = affine_map<(d0, d1) -> (0, 0)>
module attributes {stable_mosaic.version = 14 : i64} {
  func.func @_sc_body(%arg0: i32, %arg1: i32, %arg2: memref<2359296xf32, #tpu.memory_space<hbm>>, %arg3: memref<2359296xf32, #tpu.memory_space<hbm>>, %arg4: memref<589824xf32, #tpu.memory_space<hbm>>, %arg5: memref<32x48xf32, #tpu.memory_space<hbm>>, %arg6: memref<8192xf32, #tpu.memory_space<vmem>>, %arg7: memref<8192xf32, #tpu.memory_space<vmem>>, %arg8: memref<2048xf32, #tpu.memory_space<vmem>>, %arg9: memref<8192xf32, #tpu.memory_space<vmem>>, %arg10: memref<8192xf32, #tpu.memory_space<vmem>>, %arg11: memref<2048xf32, #tpu.memory_space<vmem>>, %arg12: memref<48xf32, #tpu.memory_space<vmem>>, %arg13: memref<!tpu.dma_semaphore, #tpu.memory_space<semaphore_mem>>, %arg14: memref<!tpu.dma_semaphore, #tpu.memory_space<semaphore_mem>>) attributes {dimension_semantics = [#tpu.dimension_semantics<core_parallel>, #tpu.dimension_semantics<subcore_parallel>], iteration_bounds = array<i64: 2, 16>, scalar_prefetch = 0 : i64, scratch_operands = 9 : i64, tpu.core_type = #tpu.core_type<sc_vector_subcore>, window_params = [{transform_indices = #map}, {transform_indices = #map}, {transform_indices = #map}, {transform_indices = #map1}]} {
    %mul3A = arith.constant 2 : i32
    %mul3A_0 = arith.muli %arg1, %mul3A : i32
    %add3A = arith.addi %mul3A_0, %arg0 : i32
    %mul3A_1 = arith.constant 8192 : i32
    %mul3A_2 = arith.muli %add3A, %mul3A_1 : i32
    %add3A_3 = arith.constant 0 : i32
    %add3A_4 = arith.addi %mul3A_2, %add3A_3 : i32
    %mul3A_5 = arith.constant 4 : i32
    %mul3A_6 = arith.muli %add3A_4, %mul3A_5 : i32
    %dma_start3A = tpu.memref_slice %arg2[%mul3A_6] : memref<2359296xf32, #tpu.memory_space<hbm>> -> memref<8192xf32, #tpu.memory_space<hbm>>
    %dma_start3A_7 = tpu.memref_slice %arg2[%mul3A_6] : memref<2359296xf32, #tpu.memory_space<hbm>> -> memref<8192xf32, #tpu.memory_space<hbm>>
    tpu.enqueue_dma source(%dma_start3A_7 : memref<8192xf32, #tpu.memory_space<hbm>>) target(%arg6 : memref<8192xf32, #tpu.memory_space<vmem>>) target_semaphore(%arg13 : memref<!tpu.dma_semaphore, #tpu.memory_space<semaphore_mem>>)
    %mul3A_8 = arith.constant 4 : i32
    %mul3A_9 = arith.muli %add3A_4, %mul3A_8 : i32
    %dma_start3A_10 = tpu.memref_slice %arg3[%mul3A_9] : memref<2359296xf32, #tpu.memory_space<hbm>> -> memref<8192xf32, #tpu.memory_space<hbm>>
    %dma_start3A_11 = tpu.memref_slice %arg3[%mul3A_9] : memref<2359296xf32, #tpu.memory_space<hbm>> -> memref<8192xf32, #tpu.memory_space<hbm>>
    tpu.enqueue_dma source(%dma_start3A_11 : memref<8192xf32, #tpu.memory_space<hbm>>) target(%arg7 : memref<8192xf32, #tpu.memory_space<vmem>>) target_semaphore(%arg13 : memref<!tpu.dma_semaphore, #tpu.memory_space<semaphore_mem>>)
    %dma_start3A_12 = tpu.memref_slice %arg4[%add3A_4] : memref<589824xf32, #tpu.memory_space<hbm>> -> memref<2048xf32, #tpu.memory_space<hbm>>
    %dma_start3A_13 = tpu.memref_slice %arg4[%add3A_4] : memref<589824xf32, #tpu.memory_space<hbm>> -> memref<2048xf32, #tpu.memory_space<hbm>>
    tpu.enqueue_dma source(%dma_start3A_13 : memref<2048xf32, #tpu.memory_space<hbm>>) target(%arg8 : memref<2048xf32, #tpu.memory_space<vmem>>) target_semaphore(%arg13 : memref<!tpu.dma_semaphore, #tpu.memory_space<semaphore_mem>>)
    %add3A_14 = arith.constant 2048 : i32
    %add3A_15 = arith.addi %mul3A_2, %add3A_14 : i32
    %mul3A_16 = arith.constant 4 : i32
    %mul3A_17 = arith.muli %add3A_15, %mul3A_16 : i32
    %dma_start3A_18 = tpu.memref_slice %arg2[%mul3A_17] : memref<2359296xf32, #tpu.memory_space<hbm>> -> memref<8192xf32, #tpu.memory_space<hbm>>
    %dma_start3A_19 = tpu.memref_slice %arg2[%mul3A_17] : memref<2359296xf32, #tpu.memory_space<hbm>> -> memref<8192xf32, #tpu.memory_space<hbm>>
    tpu.enqueue_dma source(%dma_start3A_19 : memref<8192xf32, #tpu.memory_space<hbm>>) target(%arg9 : memref<8192xf32, #tpu.memory_space<vmem>>) target_semaphore(%arg14 : memref<!tpu.dma_semaphore, #tpu.memory_space<semaphore_mem>>)
    %mul3A_20 = arith.constant 4 : i32
    %mul3A_21 = arith.muli %add3A_15, %mul3A_20 : i32
    %dma_start3A_22 = tpu.memref_slice %arg3[%mul3A_21] : memref<2359296xf32, #tpu.memory_space<hbm>> -> memref<8192xf32, #tpu.memory_space<hbm>>
    %dma_start3A_23 = tpu.memref_slice %arg3[%mul3A_21] : memref<2359296xf32, #tpu.memory_space<hbm>> -> memref<8192xf32, #tpu.memory_space<hbm>>
    tpu.enqueue_dma source(%dma_start3A_23 : memref<8192xf32, #tpu.memory_space<hbm>>) target(%arg10 : memref<8192xf32, #tpu.memory_space<vmem>>) target_semaphore(%arg14 : memref<!tpu.dma_semaphore, #tpu.memory_space<semaphore_mem>>)
    %dma_start3A_24 = tpu.memref_slice %arg4[%add3A_15] : memref<589824xf32, #tpu.memory_space<hbm>> -> memref<2048xf32, #tpu.memory_space<hbm>>
    %dma_start3A_25 = tpu.memref_slice %arg4[%add3A_15] : memref<589824xf32, #tpu.memory_space<hbm>> -> memref<2048xf32, #tpu.memory_space<hbm>>
    tpu.enqueue_dma source(%dma_start3A_25 : memref<2048xf32, #tpu.memory_space<hbm>>) target(%arg11 : memref<2048xf32, #tpu.memory_space<vmem>>) target_semaphore(%arg14 : memref<!tpu.dma_semaphore, #tpu.memory_space<semaphore_mem>>)
    %broadcast_in_dim3A = arith.constant 0.000000e+00 : f32
    %broadcast_in_dim3A_26 = vector.broadcast %broadcast_in_dim3A : f32 to vector<16xf32>
    %broadcast_in_dim3A_27 = arith.constant 1.000000e+00 : f32
    %broadcast_in_dim3A_28 = vector.broadcast %broadcast_in_dim3A_27 : f32 to vector<16xf32>
    %dma_wait3A = tpu.memref_slice %arg2[%mul3A_6] : memref<2359296xf32, #tpu.memory_space<hbm>> -> memref<8192xf32, #tpu.memory_space<hbm>>
    %dma_wait3A_29 = tpu.memref_slice %arg2[%mul3A_6] : memref<2359296xf32, #tpu.memory_space<hbm>> -> memref<8192xf32, #tpu.memory_space<hbm>>
    tpu.wait_dma2 semaphore(%arg13 : memref<!tpu.dma_semaphore, #tpu.memory_space<semaphore_mem>>) src(%dma_wait3A_29 : memref<8192xf32, #tpu.memory_space<hbm>>) dst(%arg6 : memref<8192xf32, #tpu.memory_space<vmem>>)
    %dma_wait3A_30 = tpu.memref_slice %arg3[%mul3A_9] : memref<2359296xf32, #tpu.memory_space<hbm>> -> memref<8192xf32, #tpu.memory_space<hbm>>
    %dma_wait3A_31 = tpu.memref_slice %arg3[%mul3A_9] : memref<2359296xf32, #tpu.memory_space<hbm>> -> memref<8192xf32, #tpu.memory_space<hbm>>
    tpu.wait_dma2 semaphore(%arg13 : memref<!tpu.dma_semaphore, #tpu.memory_space<semaphore_mem>>) src(%dma_wait3A_31 : memref<8192xf32, #tpu.memory_space<hbm>>) dst(%arg7 : memref<8192xf32, #tpu.memory_space<vmem>>)
    %dma_wait3A_32 = tpu.memref_slice %arg4[%add3A_4] : memref<589824xf32, #tpu.memory_space<hbm>> -> memref<2048xf32, #tpu.memory_space<hbm>>
    %dma_wait3A_33 = tpu.memref_slice %arg4[%add3A_4] : memref<589824xf32, #tpu.memory_space<hbm>> -> memref<2048xf32, #tpu.memory_space<hbm>>
    tpu.wait_dma2 semaphore(%arg13 : memref<!tpu.dma_semaphore, #tpu.memory_space<semaphore_mem>>) src(%dma_wait3A_33 : memref<2048xf32, #tpu.memory_space<hbm>>) dst(%arg8 : memref<2048xf32, #tpu.memory_space<vmem>>)
    %parallel_loop3A = arith.constant 0 : i32
    %parallel_loop3A_34 = arith.constant 128 : i32
    %parallel_loop3A_35 = arith.constant 1 : i32
    %parallel_loop3A_36:3 = scf.for %parallel_loop3A_102 = %parallel_loop3A to %parallel_loop3A_34 step %parallel_loop3A_35 iter_args(%parallel_loop3A_103 = %broadcast_in_dim3A_26, %parallel_loop3A_104 = %broadcast_in_dim3A_26, %parallel_loop3A_105 = %broadcast_in_dim3A_26) -> (vector<16xf32>, vector<16xf32>, vector<16xf32>)  : i32 {
      %parallel_loop3A_106 = arith.constant 3 : i32
      %parallel_loop3A_107 = arith.shrsi %parallel_loop3A_102, %parallel_loop3A_106 : i32
      %parallel_loop3A_108 = arith.constant 9 : i32
      %parallel_loop3A_109 = arith.shli %parallel_loop3A_107, %parallel_loop3A_108 : i32
      %parallel_loop3A_110 = arith.constant 7 : i32
      %parallel_loop3A_111 = arith.andi %parallel_loop3A_102, %parallel_loop3A_110 : i32
      %parallel_loop3A_112 = arith.constant 4 : i32
      %parallel_loop3A_113 = arith.shli %parallel_loop3A_111, %parallel_loop3A_112 : i32
      %parallel_loop3A_114 = arith.addi %parallel_loop3A_109, %parallel_loop3A_113 : i32
      %parallel_loop3A_115 = arith.constant 16 : i32
      %parallel_loop3A_116 = arith.muli %parallel_loop3A_102, %parallel_loop3A_115 : i32
      %parallel_loop3A_117 = arith.index_cast %parallel_loop3A_116 : i32 to index
      %parallel_loop3A_118 = tpu.vector_load %arg8[%parallel_loop3A_117] {strides = array<i32>} : memref<2048xf32, #tpu.memory_space<vmem>>, vector<16xf32>,
      %parallel_loop3A_119 = vector.shape_cast %parallel_loop3A_118 : vector<16xf32> to vector<16xf32>
      %parallel_loop3A_120 = arith.constant 0.000000e+00 : f32
      %parallel_loop3A_121 = vector.broadcast %parallel_loop3A_120 : f32 to vector<16xf32>
      %parallel_loop3A_122 = arith.cmpf ogt, %parallel_loop3A_119, %parallel_loop3A_121 : vector<16xf32>
      %parallel_loop3A_123 = arith.select %parallel_loop3A_122, %broadcast_in_dim3A_28, %broadcast_in_dim3A_26 : vector<16xi1>, vector<16xf32>
      %parallel_loop3A_124 = arith.addf %parallel_loop3A_104, %parallel_loop3A_123 : vector<16xf32>
      %parallel_loop3A_125 = arith.constant -1.000000e+00 : f32
      %parallel_loop3A_126 = vector.broadcast %parallel_loop3A_125 : f32 to vector<16xf32>
      %parallel_loop3A_127 = arith.cmpf one, %parallel_loop3A_119, %parallel_loop3A_126 : vector<16xf32>
      %parallel_loop3A_128 = arith.select %parallel_loop3A_127, %broadcast_in_dim3A_28, %broadcast_in_dim3A_26 : vector<16xi1>, vector<16xf32>
      %parallel_loop3A_129 = arith.addf %parallel_loop3A_105, %parallel_loop3A_128 : vector<16xf32>
      %parallel_loop3A_130 = arith.constant 0 : i32
      %parallel_loop3A_131 = arith.addi %parallel_loop3A_114, %parallel_loop3A_130 : i32
      %parallel_loop3A_132 = arith.index_cast %parallel_loop3A_131 : i32 to index
      %parallel_loop3A_133 = tpu.vector_load %arg6[%parallel_loop3A_132] {strides = array<i32>} : memref<8192xf32, #tpu.memory_space<vmem>>, vector<16xf32>,
      %parallel_loop3A_134 = vector.shape_cast %parallel_loop3A_133 : vector<16xf32> to vector<16xf32>
      %parallel_loop3A_135 = arith.constant 0 : i32
      %parallel_loop3A_136 = arith.addi %parallel_loop3A_114, %parallel_loop3A_135 : i32
      %parallel_loop3A_137 = arith.index_cast %parallel_loop3A_136 : i32 to index
      %parallel_loop3A_138 = tpu.vector_load %arg7[%parallel_loop3A_137] {strides = array<i32>} : memref<8192xf32, #tpu.memory_space<vmem>>, vector<16xf32>,
      %parallel_loop3A_139 = vector.shape_cast %parallel_loop3A_138 : vector<16xf32> to vector<16xf32>
      %parallel_loop3A_140 = arith.subf %parallel_loop3A_134, %parallel_loop3A_139 : vector<16xf32>
      %parallel_loop3A_141 = math.absf %parallel_loop3A_140 : vector<16xf32>
      %parallel_loop3A_142 = arith.constant 1.000000e+00 : f32
      %parallel_loop3A_143 = vector.broadcast %parallel_loop3A_142 : f32 to vector<16xf32>
      %parallel_loop3A_144 = arith.minimumf %parallel_loop3A_141, %parallel_loop3A_143 : vector<16xf32>
      %parallel_loop3A_145 = arith.addf %parallel_loop3A_141, %parallel_loop3A_141 : vector<16xf32>
      %parallel_loop3A_146 = arith.subf %parallel_loop3A_145, %parallel_loop3A_144 : vector<16xf32>
      %parallel_loop3A_147 = arith.mulf %parallel_loop3A_144, %parallel_loop3A_146 : vector<16xf32>
      %parallel_loop3A_148 = arith.addf %broadcast_in_dim3A_26, %parallel_loop3A_147 : vector<16xf32>
      %parallel_loop3A_149 = arith.constant 128 : i32
      %parallel_loop3A_150 = arith.addi %parallel_loop3A_114, %parallel_loop3A_149 : i32
      %parallel_loop3A_151 = arith.index_cast %parallel_loop3A_150 : i32 to index
      %parallel_loop3A_152 = tpu.vector_load %arg6[%parallel_loop3A_151] {strides = array<i32>} : memref<8192xf32, #tpu.memory_space<vmem>>, vector<16xf32>,
      %parallel_loop3A_153 = vector.shape_cast %parallel_loop3A_152 : vector<16xf32> to vector<16xf32>
      %parallel_loop3A_154 = arith.constant 128 : i32
      %parallel_loop3A_155 = arith.addi %parallel_loop3A_114, %parallel_loop3A_154 : i32
      %parallel_loop3A_156 = arith.index_cast %parallel_loop3A_155 : i32 to index
      %parallel_loop3A_157 = tpu.vector_load %arg7[%parallel_loop3A_156] {strides = array<i32>} : memref<8192xf32, #tpu.memory_space<vmem>>, vector<16xf32>,
      %parallel_loop3A_158 = vector.shape_cast %parallel_loop3A_157 : vector<16xf32> to vector<16xf32>
      %parallel_loop3A_159 = arith.subf %parallel_loop3A_153, %parallel_loop3A_158 : vector<16xf32>
      %parallel_loop3A_160 = math.absf %parallel_loop3A_159 : vector<16xf32>
      %parallel_loop3A_161 = arith.constant 1.000000e+00 : f32
      %parallel_loop3A_162 = vector.broadcast %parallel_loop3A_161 : f32 to vector<16xf32>
      %parallel_loop3A_163 = arith.minimumf %parallel_loop3A_160, %parallel_loop3A_162 : vector<16xf32>
      %parallel_loop3A_164 = arith.addf %parallel_loop3A_160, %parallel_loop3A_160 : vector<16xf32>
      %parallel_loop3A_165 = arith.subf %parallel_loop3A_164, %parallel_loop3A_163 : vector<16xf32>
      %parallel_loop3A_166 = arith.mulf %parallel_loop3A_163, %parallel_loop3A_165 : vector<16xf32>
      %parallel_loop3A_167 = arith.addf %parallel_loop3A_148, %parallel_loop3A_166 : vector<16xf32>
      %parallel_loop3A_168 = arith.constant 256 : i32
      %parallel_loop3A_169 = arith.addi %parallel_loop3A_114, %parallel_loop3A_168 : i32
      %parallel_loop3A_170 = arith.index_cast %parallel_loop3A_169 : i32 to index
      %parallel_loop3A_171 = tpu.vector_load %arg6[%parallel_loop3A_170] {strides = array<i32>} : memref<8192xf32, #tpu.memory_space<vmem>>, vector<16xf32>,
      %parallel_loop3A_172 = vector.shape_cast %parallel_loop3A_171 : vector<16xf32> to vector<16xf32>
      %parallel_loop3A_173 = arith.constant 256 : i32
      %parallel_loop3A_174 = arith.addi %parallel_loop3A_114, %parallel_loop3A_173 : i32
      %parallel_loop3A_175 = arith.index_cast %parallel_loop3A_174 : i32 to index
      %parallel_loop3A_176 = tpu.vector_load %arg7[%parallel_loop3A_175] {strides = array<i32>} : memref<8192xf32, #tpu.memory_space<vmem>>, vector<16xf32>,
      %parallel_loop3A_177 = vector.shape_cast %parallel_loop3A_176 : vector<16xf32> to vector<16xf32>
      %parallel_loop3A_178 = arith.subf %parallel_loop3A_172, %parallel_loop3A_177 : vector<16xf32>
      %parallel_loop3A_179 = math.absf %parallel_loop3A_178 : vector<16xf32>
      %parallel_loop3A_180 = arith.constant 1.000000e+00 : f32
      %parallel_loop3A_181 = vector.broadcast %parallel_loop3A_180 : f32 to vector<16xf32>
      %parallel_loop3A_182 = arith.minimumf %parallel_loop3A_179, %parallel_loop3A_181 : vector<16xf32>
      %parallel_loop3A_183 = arith.addf %parallel_loop3A_179, %parallel_loop3A_179 : vector<16xf32>
      %parallel_loop3A_184 = arith.subf %parallel_loop3A_183, %parallel_loop3A_182 : vector<16xf32>
      %parallel_loop3A_185 = arith.mulf %parallel_loop3A_182, %parallel_loop3A_184 : vector<16xf32>
      %parallel_loop3A_186 = arith.addf %parallel_loop3A_167, %parallel_loop3A_185 : vector<16xf32>
      %parallel_loop3A_187 = arith.constant 384 : i32
      %parallel_loop3A_188 = arith.addi %parallel_loop3A_114, %parallel_loop3A_187 : i32
      %parallel_loop3A_189 = arith.index_cast %parallel_loop3A_188 : i32 to index
      %parallel_loop3A_190 = tpu.vector_load %arg6[%parallel_loop3A_189] {strides = array<i32>} : memref<8192xf32, #tpu.memory_space<vmem>>, vector<16xf32>,
      %parallel_loop3A_191 = vector.shape_cast %parallel_loop3A_190 : vector<16xf32> to vector<16xf32>
      %parallel_loop3A_192 = arith.constant 384 : i32
      %parallel_loop3A_193 = arith.addi %parallel_loop3A_114, %parallel_loop3A_192 : i32
      %parallel_loop3A_194 = arith.index_cast %parallel_loop3A_193 : i32 to index
      %parallel_loop3A_195 = tpu.vector_load %arg7[%parallel_loop3A_194] {strides = array<i32>} : memref<8192xf32, #tpu.memory_space<vmem>>, vector<16xf32>,
      %parallel_loop3A_196 = vector.shape_cast %parallel_loop3A_195 : vector<16xf32> to vector<16xf32>
      %parallel_loop3A_197 = arith.subf %parallel_loop3A_191, %parallel_loop3A_196 : vector<16xf32>
      %parallel_loop3A_198 = math.absf %parallel_loop3A_197 : vector<16xf32>
      %parallel_loop3A_199 = arith.constant 1.000000e+00 : f32
      %parallel_loop3A_200 = vector.broadcast %parallel_loop3A_199 : f32 to vector<16xf32>
      %parallel_loop3A_201 = arith.minimumf %parallel_loop3A_198, %parallel_loop3A_200 : vector<16xf32>
      %parallel_loop3A_202 = arith.addf %parallel_loop3A_198, %parallel_loop3A_198 : vector<16xf32>
      %parallel_loop3A_203 = arith.subf %parallel_loop3A_202, %parallel_loop3A_201 : vector<16xf32>
      %parallel_loop3A_204 = arith.mulf %parallel_loop3A_201, %parallel_loop3A_203 : vector<16xf32>
      %parallel_loop3A_205 = arith.addf %parallel_loop3A_186, %parallel_loop3A_204 : vector<16xf32>
      %parallel_loop3A_206 = arith.mulf %parallel_loop3A_123, %parallel_loop3A_205 : vector<16xf32>
      %parallel_loop3A_207 = arith.addf %parallel_loop3A_103, %parallel_loop3A_206 : vector<16xf32>
      scf.yield %parallel_loop3A_207, %parallel_loop3A_124, %parallel_loop3A_129 : vector<16xf32>, vector<16xf32>, vector<16xf32>
    } {sc.loop_unroll_factor = 2 : i64, sc.parallel_access}
    %add3A_37 = arith.constant 4096 : i32
    %add3A_38 = arith.addi %mul3A_2, %add3A_37 : i32
    %mul3A_39 = arith.constant 4 : i32
    %mul3A_40 = arith.muli %add3A_38, %mul3A_39 : i32
    %dma_start3A_41 = tpu.memref_slice %arg2[%mul3A_40] : memref<2359296xf32, #tpu.memory_space<hbm>> -> memref<8192xf32, #tpu.memory_space<hbm>>
    %dma_start3A_42 = tpu.memref_slice %arg2[%mul3A_40] : memref<2359296xf32, #tpu.memory_space<hbm>> -> memref<8192xf32, #tpu.memory_space<hbm>>
    tpu.enqueue_dma source(%dma_start3A_42 : memref<8192xf32, #tpu.memory_space<hbm>>) target(%arg6 : memref<8192xf32, #tpu.memory_space<vmem>>) target_semaphore(%arg13 : memref<!tpu.dma_semaphore, #tpu.memory_space<semaphore_mem>>)
    %mul3A_43 = arith.constant 4 : i32
    %mul3A_44 = arith.muli %add3A_38, %mul3A_43 : i32
    %dma_start3A_45 = tpu.memref_slice %arg3[%mul3A_44] : memref<2359296xf32, #tpu.memory_space<hbm>> -> memref<8192xf32, #tpu.memory_space<hbm>>
    %dma_start3A_46 = tpu.memref_slice %arg3[%mul3A_44] : memref<2359296xf32, #tpu.memory_space<hbm>> -> memref<8192xf32, #tpu.memory_space<hbm>>
    tpu.enqueue_dma source(%dma_start3A_46 : memref<8192xf32, #tpu.memory_space<hbm>>) target(%arg7 : memref<8192xf32, #tpu.memory_space<vmem>>) target_semaphore(%arg13 : memref<!tpu.dma_semaphore, #tpu.memory_space<semaphore_mem>>)
    %dma_start3A_47 = tpu.memref_slice %arg4[%add3A_38] : memref<589824xf32, #tpu.memory_space<hbm>> -> memref<2048xf32, #tpu.memory_space<hbm>>
    %dma_start3A_48 = tpu.memref_slice %arg4[%add3A_38] : memref<589824xf32, #tpu.memory_space<hbm>> -> memref<2048xf32, #tpu.memory_space<hbm>>
    tpu.enqueue_dma source(%dma_start3A_48 : memref<2048xf32, #tpu.memory_space<hbm>>) target(%arg8 : memref<2048xf32, #tpu.memory_space<vmem>>) target_semaphore(%arg13 : memref<!tpu.dma_semaphore, #tpu.memory_space<semaphore_mem>>)
    %dma_wait3A_49 = tpu.memref_slice %arg2[%mul3A_17] : memref<2359296xf32, #tpu.memory_space<hbm>> -> memref<8192xf32, #tpu.memory_space<hbm>>
    %dma_wait3A_50 = tpu.memref_slice %arg2[%mul3A_17] : memref<2359296xf32, #tpu.memory_space<hbm>> -> memref<8192xf32, #tpu.memory_space<hbm>>
    tpu.wait_dma2 semaphore(%arg14 : memref<!tpu.dma_semaphore, #tpu.memory_space<semaphore_mem>>) src(%dma_wait3A_50 : memref<8192xf32, #tpu.memory_space<hbm>>) dst(%arg9 : memref<8192xf32, #tpu.memory_space<vmem>>)
    %dma_wait3A_51 = tpu.memref_slice %arg3[%mul3A_21] : memref<2359296xf32, #tpu.memory_space<hbm>> -> memref<8192xf32, #tpu.memory_space<hbm>>
    %dma_wait3A_52 = tpu.memref_slice %arg3[%mul3A_21] : memref<2359296xf32, #tpu.memory_space<hbm>> -> memref<8192xf32, #tpu.memory_space<hbm>>
    tpu.wait_dma2 semaphore(%arg14 : memref<!tpu.dma_semaphore, #tpu.memory_space<semaphore_mem>>) src(%dma_wait3A_52 : memref<8192xf32, #tpu.memory_space<hbm>>) dst(%arg10 : memref<8192xf32, #tpu.memory_space<vmem>>)
    %dma_wait3A_53 = tpu.memref_slice %arg4[%add3A_15] : memref<589824xf32, #tpu.memory_space<hbm>> -> memref<2048xf32, #tpu.memory_space<hbm>>
    %dma_wait3A_54 = tpu.memref_slice %arg4[%add3A_15] : memref<589824xf32, #tpu.memory_space<hbm>> -> memref<2048xf32, #tpu.memory_space<hbm>>
    tpu.wait_dma2 semaphore(%arg14 : memref<!tpu.dma_semaphore, #tpu.memory_space<semaphore_mem>>) src(%dma_wait3A_54 : memref<2048xf32, #tpu.memory_space<hbm>>) dst(%arg11 : memref<2048xf32, #tpu.memory_space<vmem>>)
    %parallel_loop3A_55 = arith.constant 0 : i32
    %parallel_loop3A_56 = arith.constant 128 : i32
    %parallel_loop3A_57 = arith.constant 1 : i32
    %parallel_loop3A_58:3 = scf.for %parallel_loop3A_102 = %parallel_loop3A_55 to %parallel_loop3A_56 step %parallel_loop3A_57 iter_args(%parallel_loop3A_103 = %parallel_loop3A_36#0, %parallel_loop3A_104 = %parallel_loop3A_36#1, %parallel_loop3A_105 = %parallel_loop3A_36#2) -> (vector<16xf32>, vector<16xf32>, vector<16xf32>)  : i32 {
      %parallel_loop3A_106 = arith.constant 3 : i32
      %parallel_loop3A_107 = arith.shrsi %parallel_loop3A_102, %parallel_loop3A_106 : i32
      %parallel_loop3A_108 = arith.constant 9 : i32
      %parallel_loop3A_109 = arith.shli %parallel_loop3A_107, %parallel_loop3A_108 : i32
      %parallel_loop3A_110 = arith.constant 7 : i32
      %parallel_loop3A_111 = arith.andi %parallel_loop3A_102, %parallel_loop3A_110 : i32
      %parallel_loop3A_112 = arith.constant 4 : i32
      %parallel_loop3A_113 = arith.shli %parallel_loop3A_111, %parallel_loop3A_112 : i32
      %parallel_loop3A_114 = arith.addi %parallel_loop3A_109, %parallel_loop3A_113 : i32
      %parallel_loop3A_115 = arith.constant 16 : i32
      %parallel_loop3A_116 = arith.muli %parallel_loop3A_102, %parallel_loop3A_115 : i32
      %parallel_loop3A_117 = arith.index_cast %parallel_loop3A_116 : i32 to index
      %parallel_loop3A_118 = tpu.vector_load %arg11[%parallel_loop3A_117] {strides = array<i32>} : memref<2048xf32, #tpu.memory_space<vmem>>, vector<16xf32>,
      %parallel_loop3A_119 = vector.shape_cast %parallel_loop3A_118 : vector<16xf32> to vector<16xf32>
      %parallel_loop3A_120 = arith.constant 0.000000e+00 : f32
      %parallel_loop3A_121 = vector.broadcast %parallel_loop3A_120 : f32 to vector<16xf32>
      %parallel_loop3A_122 = arith.cmpf ogt, %parallel_loop3A_119, %parallel_loop3A_121 : vector<16xf32>
      %parallel_loop3A_123 = arith.select %parallel_loop3A_122, %broadcast_in_dim3A_28, %broadcast_in_dim3A_26 : vector<16xi1>, vector<16xf32>
      %parallel_loop3A_124 = arith.addf %parallel_loop3A_104, %parallel_loop3A_123 : vector<16xf32>
      %parallel_loop3A_125 = arith.constant -1.000000e+00 : f32
      %parallel_loop3A_126 = vector.broadcast %parallel_loop3A_125 : f32 to vector<16xf32>
      %parallel_loop3A_127 = arith.cmpf one, %parallel_loop3A_119, %parallel_loop3A_126 : vector<16xf32>
      %parallel_loop3A_128 = arith.select %parallel_loop3A_127, %broadcast_in_dim3A_28, %broadcast_in_dim3A_26 : vector<16xi1>, vector<16xf32>
      %parallel_loop3A_129 = arith.addf %parallel_loop3A_105, %parallel_loop3A_128 : vector<16xf32>
      %parallel_loop3A_130 = arith.constant 0 : i32
      %parallel_loop3A_131 = arith.addi %parallel_loop3A_114, %parallel_loop3A_130 : i32
      %parallel_loop3A_132 = arith.index_cast %parallel_loop3A_131 : i32 to index
      %parallel_loop3A_133 = tpu.vector_load %arg9[%parallel_loop3A_132] {strides = array<i32>} : memref<8192xf32, #tpu.memory_space<vmem>>, vector<16xf32>,
      %parallel_loop3A_134 = vector.shape_cast %parallel_loop3A_133 : vector<16xf32> to vector<16xf32>
      %parallel_loop3A_135 = arith.constant 0 : i32
      %parallel_loop3A_136 = arith.addi %parallel_loop3A_114, %parallel_loop3A_135 : i32
      %parallel_loop3A_137 = arith.index_cast %parallel_loop3A_136 : i32 to index
      %parallel_loop3A_138 = tpu.vector_load %arg10[%parallel_loop3A_137] {strides = array<i32>} : memref<8192xf32, #tpu.memory_space<vmem>>, vector<16xf32>,
      %parallel_loop3A_139 = vector.shape_cast %parallel_loop3A_138 : vector<16xf32> to vector<16xf32>
      %parallel_loop3A_140 = arith.subf %parallel_loop3A_134, %parallel_loop3A_139 : vector<16xf32>
      %parallel_loop3A_141 = math.absf %parallel_loop3A_140 : vector<16xf32>
      %parallel_loop3A_142 = arith.constant 1.000000e+00 : f32
      %parallel_loop3A_143 = vector.broadcast %parallel_loop3A_142 : f32 to vector<16xf32>
      %parallel_loop3A_144 = arith.minimumf %parallel_loop3A_141, %parallel_loop3A_143 : vector<16xf32>
      %parallel_loop3A_145 = arith.addf %parallel_loop3A_141, %parallel_loop3A_141 : vector<16xf32>
      %parallel_loop3A_146 = arith.subf %parallel_loop3A_145, %parallel_loop3A_144 : vector<16xf32>
      %parallel_loop3A_147 = arith.mulf %parallel_loop3A_144, %parallel_loop3A_146 : vector<16xf32>
      %parallel_loop3A_148 = arith.addf %broadcast_in_dim3A_26, %parallel_loop3A_147 : vector<16xf32>
      %parallel_loop3A_149 = arith.constant 128 : i32
      %parallel_loop3A_150 = arith.addi %parallel_loop3A_114, %parallel_loop3A_149 : i32
      %parallel_loop3A_151 = arith.index_cast %parallel_loop3A_150 : i32 to index
      %parallel_loop3A_152 = tpu.vector_load %arg9[%parallel_loop3A_151] {strides = array<i32>} : memref<8192xf32, #tpu.memory_space<vmem>>, vector<16xf32>,
      %parallel_loop3A_153 = vector.shape_cast %parallel_loop3A_152 : vector<16xf32> to vector<16xf32>
      %parallel_loop3A_154 = arith.constant 128 : i32
      %parallel_loop3A_155 = arith.addi %parallel_loop3A_114, %parallel_loop3A_154 : i32
      %parallel_loop3A_156 = arith.index_cast %parallel_loop3A_155 : i32 to index
      %parallel_loop3A_157 = tpu.vector_load %arg10[%parallel_loop3A_156] {strides = array<i32>} : memref<8192xf32, #tpu.memory_space<vmem>>, vector<16xf32>,
      %parallel_loop3A_158 = vector.shape_cast %parallel_loop3A_157 : vector<16xf32> to vector<16xf32>
      %parallel_loop3A_159 = arith.subf %parallel_loop3A_153, %parallel_loop3A_158 : vector<16xf32>
      %parallel_loop3A_160 = math.absf %parallel_loop3A_159 : vector<16xf32>
      %parallel_loop3A_161 = arith.constant 1.000000e+00 : f32
      %parallel_loop3A_162 = vector.broadcast %parallel_loop3A_161 : f32 to vector<16xf32>
      %parallel_loop3A_163 = arith.minimumf %parallel_loop3A_160, %parallel_loop3A_162 : vector<16xf32>
      %parallel_loop3A_164 = arith.addf %parallel_loop3A_160, %parallel_loop3A_160 : vector<16xf32>
      %parallel_loop3A_165 = arith.subf %parallel_loop3A_164, %parallel_loop3A_163 : vector<16xf32>
      %parallel_loop3A_166 = arith.mulf %parallel_loop3A_163, %parallel_loop3A_165 : vector<16xf32>
      %parallel_loop3A_167 = arith.addf %parallel_loop3A_148, %parallel_loop3A_166 : vector<16xf32>
      %parallel_loop3A_168 = arith.constant 256 : i32
      %parallel_loop3A_169 = arith.addi %parallel_loop3A_114, %parallel_loop3A_168 : i32
      %parallel_loop3A_170 = arith.index_cast %parallel_loop3A_169 : i32 to index
      %parallel_loop3A_171 = tpu.vector_load %arg9[%parallel_loop3A_170] {strides = array<i32>} : memref<8192xf32, #tpu.memory_space<vmem>>, vector<16xf32>,
      %parallel_loop3A_172 = vector.shape_cast %parallel_loop3A_171 : vector<16xf32> to vector<16xf32>
      %parallel_loop3A_173 = arith.constant 256 : i32
      %parallel_loop3A_174 = arith.addi %parallel_loop3A_114, %parallel_loop3A_173 : i32
      %parallel_loop3A_175 = arith.index_cast %parallel_loop3A_174 : i32 to index
      %parallel_loop3A_176 = tpu.vector_load %arg10[%parallel_loop3A_175] {strides = array<i32>} : memref<8192xf32, #tpu.memory_space<vmem>>, vector<16xf32>,
      %parallel_loop3A_177 = vector.shape_cast %parallel_loop3A_176 : vector<16xf32> to vector<16xf32>
      %parallel_loop3A_178 = arith.subf %parallel_loop3A_172, %parallel_loop3A_177 : vector<16xf32>
      %parallel_loop3A_179 = math.absf %parallel_loop3A_178 : vector<16xf32>
      %parallel_loop3A_180 = arith.constant 1.000000e+00 : f32
      %parallel_loop3A_181 = vector.broadcast %parallel_loop3A_180 : f32 to vector<16xf32>
      %parallel_loop3A_182 = arith.minimumf %parallel_loop3A_179, %parallel_loop3A_181 : vector<16xf32>
      %parallel_loop3A_183 = arith.addf %parallel_loop3A_179, %parallel_loop3A_179 : vector<16xf32>
      %parallel_loop3A_184 = arith.subf %parallel_loop3A_183, %parallel_loop3A_182 : vector<16xf32>
      %parallel_loop3A_185 = arith.mulf %parallel_loop3A_182, %parallel_loop3A_184 : vector<16xf32>
      %parallel_loop3A_186 = arith.addf %parallel_loop3A_167, %parallel_loop3A_185 : vector<16xf32>
      %parallel_loop3A_187 = arith.constant 384 : i32
      %parallel_loop3A_188 = arith.addi %parallel_loop3A_114, %parallel_loop3A_187 : i32
      %parallel_loop3A_189 = arith.index_cast %parallel_loop3A_188 : i32 to index
      %parallel_loop3A_190 = tpu.vector_load %arg9[%parallel_loop3A_189] {strides = array<i32>} : memref<8192xf32, #tpu.memory_space<vmem>>, vector<16xf32>,
      %parallel_loop3A_191 = vector.shape_cast %parallel_loop3A_190 : vector<16xf32> to vector<16xf32>
      %parallel_loop3A_192 = arith.constant 384 : i32
      %parallel_loop3A_193 = arith.addi %parallel_loop3A_114, %parallel_loop3A_192 : i32
      %parallel_loop3A_194 = arith.index_cast %parallel_loop3A_193 : i32 to index
      %parallel_loop3A_195 = tpu.vector_load %arg10[%parallel_loop3A_194] {strides = array<i32>} : memref<8192xf32, #tpu.memory_space<vmem>>, vector<16xf32>,
      %parallel_loop3A_196 = vector.shape_cast %parallel_loop3A_195 : vector<16xf32> to vector<16xf32>
      %parallel_loop3A_197 = arith.subf %parallel_loop3A_191, %parallel_loop3A_196 : vector<16xf32>
      %parallel_loop3A_198 = math.absf %parallel_loop3A_197 : vector<16xf32>
      %parallel_loop3A_199 = arith.constant 1.000000e+00 : f32
      %parallel_loop3A_200 = vector.broadcast %parallel_loop3A_199 : f32 to vector<16xf32>
      %parallel_loop3A_201 = arith.minimumf %parallel_loop3A_198, %parallel_loop3A_200 : vector<16xf32>
      %parallel_loop3A_202 = arith.addf %parallel_loop3A_198, %parallel_loop3A_198 : vector<16xf32>
      %parallel_loop3A_203 = arith.subf %parallel_loop3A_202, %parallel_loop3A_201 : vector<16xf32>
      %parallel_loop3A_204 = arith.mulf %parallel_loop3A_201, %parallel_loop3A_203 : vector<16xf32>
      %parallel_loop3A_205 = arith.addf %parallel_loop3A_186, %parallel_loop3A_204 : vector<16xf32>
      %parallel_loop3A_206 = arith.mulf %parallel_loop3A_123, %parallel_loop3A_205 : vector<16xf32>
      %parallel_loop3A_207 = arith.addf %parallel_loop3A_103, %parallel_loop3A_206 : vector<16xf32>
      scf.yield %parallel_loop3A_207, %parallel_loop3A_124, %parallel_loop3A_129 : vector<16xf32>, vector<16xf32>, vector<16xf32>
    } {sc.loop_unroll_factor = 2 : i64, sc.parallel_access}
    %add3A_59 = arith.constant 6144 : i32
    %add3A_60 = arith.addi %mul3A_2, %add3A_59 : i32
    %mul3A_61 = arith.constant 4 : i32
    %mul3A_62 = arith.muli %add3A_60, %mul3A_61 : i32
    %dma_start3A_63 = tpu.memref_slice %arg2[%mul3A_62] : memref<2359296xf32, #tpu.memory_space<hbm>> -> memref<8192xf32, #tpu.memory_space<hbm>>
    %dma_start3A_64 = tpu.memref_slice %arg2[%mul3A_62] : memref<2359296xf32, #tpu.memory_space<hbm>> -> memref<8192xf32, #tpu.memory_space<hbm>>
    tpu.enqueue_dma source(%dma_start3A_64 : memref<8192xf32, #tpu.memory_space<hbm>>) target(%arg9 : memref<8192xf32, #tpu.memory_space<vmem>>) target_semaphore(%arg14 : memref<!tpu.dma_semaphore, #tpu.memory_space<semaphore_mem>>)
    %mul3A_65 = arith.constant 4 : i32
    %mul3A_66 = arith.muli %add3A_60, %mul3A_65 : i32
    %dma_start3A_67 = tpu.memref_slice %arg3[%mul3A_66] : memref<2359296xf32, #tpu.memory_space<hbm>> -> memref<8192xf32, #tpu.memory_space<hbm>>
    %dma_start3A_68 = tpu.memref_slice %arg3[%mul3A_66] : memref<2359296xf32, #tpu.memory_space<hbm>> -> memref<8192xf32, #tpu.memory_space<hbm>>
    tpu.enqueue_dma source(%dma_start3A_68 : memref<8192xf32, #tpu.memory_space<hbm>>) target(%arg10 : memref<8192xf32, #tpu.memory_space<vmem>>) target_semaphore(%arg14 : memref<!tpu.dma_semaphore, #tpu.memory_space<semaphore_mem>>)
    %dma_start3A_69 = tpu.memref_slice %arg4[%add3A_60] : memref<589824xf32, #tpu.memory_space<hbm>> -> memref<2048xf32, #tpu.memory_space<hbm>>
    %dma_start3A_70 = tpu.memref_slice %arg4[%add3A_60] : memref<589824xf32, #tpu.memory_space<hbm>> -> memref<2048xf32, #tpu.memory_space<hbm>>
    tpu.enqueue_dma source(%dma_start3A_70 : memref<2048xf32, #tpu.memory_space<hbm>>) target(%arg11 : memref<2048xf32, #tpu.memory_space<vmem>>) target_semaphore(%arg14 : memref<!tpu.dma_semaphore, #tpu.memory_space<semaphore_mem>>)
    %dma_wait3A_71 = tpu.memref_slice %arg2[%mul3A_40] : memref<2359296xf32, #tpu.memory_space<hbm>> -> memref<8192xf32, #tpu.memory_space<hbm>>
    %dma_wait3A_72 = tpu.memref_slice %arg2[%mul3A_40] : memref<2359296xf32, #tpu.memory_space<hbm>> -> memref<8192xf32, #tpu.memory_space<hbm>>
    tpu.wait_dma2 semaphore(%arg13 : memref<!tpu.dma_semaphore, #tpu.memory_space<semaphore_mem>>) src(%dma_wait3A_72 : memref<8192xf32, #tpu.memory_space<hbm>>) dst(%arg6 : memref<8192xf32, #tpu.memory_space<vmem>>)
    %dma_wait3A_73 = tpu.memref_slice %arg3[%mul3A_44] : memref<2359296xf32, #tpu.memory_space<hbm>> -> memref<8192xf32, #tpu.memory_space<hbm>>
    %dma_wait3A_74 = tpu.memref_slice %arg3[%mul3A_44] : memref<2359296xf32, #tpu.memory_space<hbm>> -> memref<8192xf32, #tpu.memory_space<hbm>>
    tpu.wait_dma2 semaphore(%arg13 : memref<!tpu.dma_semaphore, #tpu.memory_space<semaphore_mem>>) src(%dma_wait3A_74 : memref<8192xf32, #tpu.memory_space<hbm>>) dst(%arg7 : memref<8192xf32, #tpu.memory_space<vmem>>)
    %dma_wait3A_75 = tpu.memref_slice %arg4[%add3A_38] : memref<589824xf32, #tpu.memory_space<hbm>> -> memref<2048xf32, #tpu.memory_space<hbm>>
    %dma_wait3A_76 = tpu.memref_slice %arg4[%add3A_38] : memref<589824xf32, #tpu.memory_space<hbm>> -> memref<2048xf32, #tpu.memory_space<hbm>>
    tpu.wait_dma2 semaphore(%arg13 : memref<!tpu.dma_semaphore, #tpu.memory_space<semaphore_mem>>) src(%dma_wait3A_76 : memref<2048xf32, #tpu.memory_space<hbm>>) dst(%arg8 : memref<2048xf32, #tpu.memory_space<vmem>>)
    %parallel_loop3A_77 = arith.constant 0 : i32
    %parallel_loop3A_78 = arith.constant 128 : i32
    %parallel_loop3A_79 = arith.constant 1 : i32
    %parallel_loop3A_80:3 = scf.for %parallel_loop3A_102 = %parallel_loop3A_77 to %parallel_loop3A_78 step %parallel_loop3A_79 iter_args(%parallel_loop3A_103 = %parallel_loop3A_58#0, %parallel_loop3A_104 = %parallel_loop3A_58#1, %parallel_loop3A_105 = %parallel_loop3A_58#2) -> (vector<16xf32>, vector<16xf32>, vector<16xf32>)  : i32 {
      %parallel_loop3A_106 = arith.constant 3 : i32
      %parallel_loop3A_107 = arith.shrsi %parallel_loop3A_102, %parallel_loop3A_106 : i32
      %parallel_loop3A_108 = arith.constant 9 : i32
      %parallel_loop3A_109 = arith.shli %parallel_loop3A_107, %parallel_loop3A_108 : i32
      %parallel_loop3A_110 = arith.constant 7 : i32
      %parallel_loop3A_111 = arith.andi %parallel_loop3A_102, %parallel_loop3A_110 : i32
      %parallel_loop3A_112 = arith.constant 4 : i32
      %parallel_loop3A_113 = arith.shli %parallel_loop3A_111, %parallel_loop3A_112 : i32
      %parallel_loop3A_114 = arith.addi %parallel_loop3A_109, %parallel_loop3A_113 : i32
      %parallel_loop3A_115 = arith.constant 16 : i32
      %parallel_loop3A_116 = arith.muli %parallel_loop3A_102, %parallel_loop3A_115 : i32
      %parallel_loop3A_117 = arith.index_cast %parallel_loop3A_116 : i32 to index
      %parallel_loop3A_118 = tpu.vector_load %arg8[%parallel_loop3A_117] {strides = array<i32>} : memref<2048xf32, #tpu.memory_space<vmem>>, vector<16xf32>,
      %parallel_loop3A_119 = vector.shape_cast %parallel_loop3A_118 : vector<16xf32> to vector<16xf32>
      %parallel_loop3A_120 = arith.constant 0.000000e+00 : f32
      %parallel_loop3A_121 = vector.broadcast %parallel_loop3A_120 : f32 to vector<16xf32>
      %parallel_loop3A_122 = arith.cmpf ogt, %parallel_loop3A_119, %parallel_loop3A_121 : vector<16xf32>
      %parallel_loop3A_123 = arith.select %parallel_loop3A_122, %broadcast_in_dim3A_28, %broadcast_in_dim3A_26 : vector<16xi1>, vector<16xf32>
      %parallel_loop3A_124 = arith.addf %parallel_loop3A_104, %parallel_loop3A_123 : vector<16xf32>
      %parallel_loop3A_125 = arith.constant -1.000000e+00 : f32
      %parallel_loop3A_126 = vector.broadcast %parallel_loop3A_125 : f32 to vector<16xf32>
      %parallel_loop3A_127 = arith.cmpf one, %parallel_loop3A_119, %parallel_loop3A_126 : vector<16xf32>
      %parallel_loop3A_128 = arith.select %parallel_loop3A_127, %broadcast_in_dim3A_28, %broadcast_in_dim3A_26 : vector<16xi1>, vector<16xf32>
      %parallel_loop3A_129 = arith.addf %parallel_loop3A_105, %parallel_loop3A_128 : vector<16xf32>
      %parallel_loop3A_130 = arith.constant 0 : i32
      %parallel_loop3A_131 = arith.addi %parallel_loop3A_114, %parallel_loop3A_130 : i32
      %parallel_loop3A_132 = arith.index_cast %parallel_loop3A_131 : i32 to index
      %parallel_loop3A_133 = tpu.vector_load %arg6[%parallel_loop3A_132] {strides = array<i32>} : memref<8192xf32, #tpu.memory_space<vmem>>, vector<16xf32>,
      %parallel_loop3A_134 = vector.shape_cast %parallel_loop3A_133 : vector<16xf32> to vector<16xf32>
      %parallel_loop3A_135 = arith.constant 0 : i32
      %parallel_loop3A_136 = arith.addi %parallel_loop3A_114, %parallel_loop3A_135 : i32
      %parallel_loop3A_137 = arith.index_cast %parallel_loop3A_136 : i32 to index
      %parallel_loop3A_138 = tpu.vector_load %arg7[%parallel_loop3A_137] {strides = array<i32>} : memref<8192xf32, #tpu.memory_space<vmem>>, vector<16xf32>,
      %parallel_loop3A_139 = vector.shape_cast %parallel_loop3A_138 : vector<16xf32> to vector<16xf32>
      %parallel_loop3A_140 = arith.subf %parallel_loop3A_134, %parallel_loop3A_139 : vector<16xf32>
      %parallel_loop3A_141 = math.absf %parallel_loop3A_140 : vector<16xf32>
      %parallel_loop3A_142 = arith.constant 1.000000e+00 : f32
      %parallel_loop3A_143 = vector.broadcast %parallel_loop3A_142 : f32 to vector<16xf32>
      %parallel_loop3A_144 = arith.minimumf %parallel_loop3A_141, %parallel_loop3A_143 : vector<16xf32>
      %parallel_loop3A_145 = arith.addf %parallel_loop3A_141, %parallel_loop3A_141 : vector<16xf32>
      %parallel_loop3A_146 = arith.subf %parallel_loop3A_145, %parallel_loop3A_144 : vector<16xf32>
      %parallel_loop3A_147 = arith.mulf %parallel_loop3A_144, %parallel_loop3A_146 : vector<16xf32>
      %parallel_loop3A_148 = arith.addf %broadcast_in_dim3A_26, %parallel_loop3A_147 : vector<16xf32>
      %parallel_loop3A_149 = arith.constant 128 : i32
      %parallel_loop3A_150 = arith.addi %parallel_loop3A_114, %parallel_loop3A_149 : i32
      %parallel_loop3A_151 = arith.index_cast %parallel_loop3A_150 : i32 to index
      %parallel_loop3A_152 = tpu.vector_load %arg6[%parallel_loop3A_151] {strides = array<i32>} : memref<8192xf32, #tpu.memory_space<vmem>>, vector<16xf32>,
      %parallel_loop3A_153 = vector.shape_cast %parallel_loop3A_152 : vector<16xf32> to vector<16xf32>
      %parallel_loop3A_154 = arith.constant 128 : i32
      %parallel_loop3A_155 = arith.addi %parallel_loop3A_114, %parallel_loop3A_154 : i32
      %parallel_loop3A_156 = arith.index_cast %parallel_loop3A_155 : i32 to index
      %parallel_loop3A_157 = tpu.vector_load %arg7[%parallel_loop3A_156] {strides = array<i32>} : memref<8192xf32, #tpu.memory_space<vmem>>, vector<16xf32>,
      %parallel_loop3A_158 = vector.shape_cast %parallel_loop3A_157 : vector<16xf32> to vector<16xf32>
      %parallel_loop3A_159 = arith.subf %parallel_loop3A_153, %parallel_loop3A_158 : vector<16xf32>
      %parallel_loop3A_160 = math.absf %parallel_loop3A_159 : vector<16xf32>
      %parallel_loop3A_161 = arith.constant 1.000000e+00 : f32
      %parallel_loop3A_162 = vector.broadcast %parallel_loop3A_161 : f32 to vector<16xf32>
      %parallel_loop3A_163 = arith.minimumf %parallel_loop3A_160, %parallel_loop3A_162 : vector<16xf32>
      %parallel_loop3A_164 = arith.addf %parallel_loop3A_160, %parallel_loop3A_160 : vector<16xf32>
      %parallel_loop3A_165 = arith.subf %parallel_loop3A_164, %parallel_loop3A_163 : vector<16xf32>
      %parallel_loop3A_166 = arith.mulf %parallel_loop3A_163, %parallel_loop3A_165 : vector<16xf32>
      %parallel_loop3A_167 = arith.addf %parallel_loop3A_148, %parallel_loop3A_166 : vector<16xf32>
      %parallel_loop3A_168 = arith.constant 256 : i32
      %parallel_loop3A_169 = arith.addi %parallel_loop3A_114, %parallel_loop3A_168 : i32
      %parallel_loop3A_170 = arith.index_cast %parallel_loop3A_169 : i32 to index
      %parallel_loop3A_171 = tpu.vector_load %arg6[%parallel_loop3A_170] {strides = array<i32>} : memref<8192xf32, #tpu.memory_space<vmem>>, vector<16xf32>,
      %parallel_loop3A_172 = vector.shape_cast %parallel_loop3A_171 : vector<16xf32> to vector<16xf32>
      %parallel_loop3A_173 = arith.constant 256 : i32
      %parallel_loop3A_174 = arith.addi %parallel_loop3A_114, %parallel_loop3A_173 : i32
      %parallel_loop3A_175 = arith.index_cast %parallel_loop3A_174 : i32 to index
      %parallel_loop3A_176 = tpu.vector_load %arg7[%parallel_loop3A_175] {strides = array<i32>} : memref<8192xf32, #tpu.memory_space<vmem>>, vector<16xf32>,
      %parallel_loop3A_177 = vector.shape_cast %parallel_loop3A_176 : vector<16xf32> to vector<16xf32>
      %parallel_loop3A_178 = arith.subf %parallel_loop3A_172, %parallel_loop3A_177 : vector<16xf32>
      %parallel_loop3A_179 = math.absf %parallel_loop3A_178 : vector<16xf32>
      %parallel_loop3A_180 = arith.constant 1.000000e+00 : f32
      %parallel_loop3A_181 = vector.broadcast %parallel_loop3A_180 : f32 to vector<16xf32>
      %parallel_loop3A_182 = arith.minimumf %parallel_loop3A_179, %parallel_loop3A_181 : vector<16xf32>
      %parallel_loop3A_183 = arith.addf %parallel_loop3A_179, %parallel_loop3A_179 : vector<16xf32>
      %parallel_loop3A_184 = arith.subf %parallel_loop3A_183, %parallel_loop3A_182 : vector<16xf32>
      %parallel_loop3A_185 = arith.mulf %parallel_loop3A_182, %parallel_loop3A_184 : vector<16xf32>
      %parallel_loop3A_186 = arith.addf %parallel_loop3A_167, %parallel_loop3A_185 : vector<16xf32>
      %parallel_loop3A_187 = arith.constant 384 : i32
      %parallel_loop3A_188 = arith.addi %parallel_loop3A_114, %parallel_loop3A_187 : i32
      %parallel_loop3A_189 = arith.index_cast %parallel_loop3A_188 : i32 to index
      %parallel_loop3A_190 = tpu.vector_load %arg6[%parallel_loop3A_189] {strides = array<i32>} : memref<8192xf32, #tpu.memory_space<vmem>>, vector<16xf32>,
      %parallel_loop3A_191 = vector.shape_cast %parallel_loop3A_190 : vector<16xf32> to vector<16xf32>
      %parallel_loop3A_192 = arith.constant 384 : i32
      %parallel_loop3A_193 = arith.addi %parallel_loop3A_114, %parallel_loop3A_192 : i32
      %parallel_loop3A_194 = arith.index_cast %parallel_loop3A_193 : i32 to index
      %parallel_loop3A_195 = tpu.vector_load %arg7[%parallel_loop3A_194] {strides = array<i32>} : memref<8192xf32, #tpu.memory_space<vmem>>, vector<16xf32>,
      %parallel_loop3A_196 = vector.shape_cast %parallel_loop3A_195 : vector<16xf32> to vector<16xf32>
      %parallel_loop3A_197 = arith.subf %parallel_loop3A_191, %parallel_loop3A_196 : vector<16xf32>
      %parallel_loop3A_198 = math.absf %parallel_loop3A_197 : vector<16xf32>
      %parallel_loop3A_199 = arith.constant 1.000000e+00 : f32
      %parallel_loop3A_200 = vector.broadcast %parallel_loop3A_199 : f32 to vector<16xf32>
      %parallel_loop3A_201 = arith.minimumf %parallel_loop3A_198, %parallel_loop3A_200 : vector<16xf32>
      %parallel_loop3A_202 = arith.addf %parallel_loop3A_198, %parallel_loop3A_198 : vector<16xf32>
      %parallel_loop3A_203 = arith.subf %parallel_loop3A_202, %parallel_loop3A_201 : vector<16xf32>
      %parallel_loop3A_204 = arith.mulf %parallel_loop3A_201, %parallel_loop3A_203 : vector<16xf32>
      %parallel_loop3A_205 = arith.addf %parallel_loop3A_186, %parallel_loop3A_204 : vector<16xf32>
      %parallel_loop3A_206 = arith.mulf %parallel_loop3A_123, %parallel_loop3A_205 : vector<16xf32>
      %parallel_loop3A_207 = arith.addf %parallel_loop3A_103, %parallel_loop3A_206 : vector<16xf32>
      scf.yield %parallel_loop3A_207, %parallel_loop3A_124, %parallel_loop3A_129 : vector<16xf32>, vector<16xf32>, vector<16xf32>
    } {sc.loop_unroll_factor = 2 : i64, sc.parallel_access}
    %dma_wait3A_81 = tpu.memref_slice %arg2[%mul3A_62] : memref<2359296xf32, #tpu.memory_space<hbm>> -> memref<8192xf32, #tpu.memory_space<hbm>>
    %dma_wait3A_82 = tpu.memref_slice %arg2[%mul3A_62] : memref<2359296xf32, #tpu.memory_space<hbm>> -> memref<8192xf32, #tpu.memory_space<hbm>>
    tpu.wait_dma2 semaphore(%arg14 : memref<!tpu.dma_semaphore, #tpu.memory_space<semaphore_mem>>) src(%dma_wait3A_82 : memref<8192xf32, #tpu.memory_space<hbm>>) dst(%arg9 : memref<8192xf32, #tpu.memory_space<vmem>>)
    %dma_wait3A_83 = tpu.memref_slice %arg3[%mul3A_66] : memref<2359296xf32, #tpu.memory_space<hbm>> -> memref<8192xf32, #tpu.memory_space<hbm>>
    %dma_wait3A_84 = tpu.memref_slice %arg3[%mul3A_66] : memref<2359296xf32, #tpu.memory_space<hbm>> -> memref<8192xf32, #tpu.memory_space<hbm>>
    tpu.wait_dma2 semaphore(%arg14 : memref<!tpu.dma_semaphore, #tpu.memory_space<semaphore_mem>>) src(%dma_wait3A_84 : memref<8192xf32, #tpu.memory_space<hbm>>) dst(%arg10 : memref<8192xf32, #tpu.memory_space<vmem>>)
    %dma_wait3A_85 = tpu.memref_slice %arg4[%add3A_60] : memref<589824xf32, #tpu.memory_space<hbm>> -> memref<2048xf32, #tpu.memory_space<hbm>>
    %dma_wait3A_86 = tpu.memref_slice %arg4[%add3A_60] : memref<589824xf32, #tpu.memory_space<hbm>> -> memref<2048xf32, #tpu.memory_space<hbm>>
    tpu.wait_dma2 semaphore(%arg14 : memref<!tpu.dma_semaphore, #tpu.memory_space<semaphore_mem>>) src(%dma_wait3A_86 : memref<2048xf32, #tpu.memory_space<hbm>>) dst(%arg11 : memref<2048xf32, #tpu.memory_space<vmem>>)
    %parallel_loop3A_87 = arith.constant 0 : i32
    %parallel_loop3A_88 = arith.constant 128 : i32
    %parallel_loop3A_89 = arith.constant 1 : i32
    %parallel_loop3A_90:3 = scf.for %parallel_loop3A_102 = %parallel_loop3A_87 to %parallel_loop3A_88 step %parallel_loop3A_89 iter_args(%parallel_loop3A_103 = %parallel_loop3A_80#0, %parallel_loop3A_104 = %parallel_loop3A_80#1, %parallel_loop3A_105 = %parallel_loop3A_80#2) -> (vector<16xf32>, vector<16xf32>, vector<16xf32>)  : i32 {
      %parallel_loop3A_106 = arith.constant 3 : i32
      %parallel_loop3A_107 = arith.shrsi %parallel_loop3A_102, %parallel_loop3A_106 : i32
      %parallel_loop3A_108 = arith.constant 9 : i32
      %parallel_loop3A_109 = arith.shli %parallel_loop3A_107, %parallel_loop3A_108 : i32
      %parallel_loop3A_110 = arith.constant 7 : i32
      %parallel_loop3A_111 = arith.andi %parallel_loop3A_102, %parallel_loop3A_110 : i32
      %parallel_loop3A_112 = arith.constant 4 : i32
      %parallel_loop3A_113 = arith.shli %parallel_loop3A_111, %parallel_loop3A_112 : i32
      %parallel_loop3A_114 = arith.addi %parallel_loop3A_109, %parallel_loop3A_113 : i32
      %parallel_loop3A_115 = arith.constant 16 : i32
      %parallel_loop3A_116 = arith.muli %parallel_loop3A_102, %parallel_loop3A_115 : i32
      %parallel_loop3A_117 = arith.index_cast %parallel_loop3A_116 : i32 to index
      %parallel_loop3A_118 = tpu.vector_load %arg11[%parallel_loop3A_117] {strides = array<i32>} : memref<2048xf32, #tpu.memory_space<vmem>>, vector<16xf32>,
      %parallel_loop3A_119 = vector.shape_cast %parallel_loop3A_118 : vector<16xf32> to vector<16xf32>
      %parallel_loop3A_120 = arith.constant 0.000000e+00 : f32
      %parallel_loop3A_121 = vector.broadcast %parallel_loop3A_120 : f32 to vector<16xf32>
      %parallel_loop3A_122 = arith.cmpf ogt, %parallel_loop3A_119, %parallel_loop3A_121 : vector<16xf32>
      %parallel_loop3A_123 = arith.select %parallel_loop3A_122, %broadcast_in_dim3A_28, %broadcast_in_dim3A_26 : vector<16xi1>, vector<16xf32>
      %parallel_loop3A_124 = arith.addf %parallel_loop3A_104, %parallel_loop3A_123 : vector<16xf32>
      %parallel_loop3A_125 = arith.constant -1.000000e+00 : f32
      %parallel_loop3A_126 = vector.broadcast %parallel_loop3A_125 : f32 to vector<16xf32>
      %parallel_loop3A_127 = arith.cmpf one, %parallel_loop3A_119, %parallel_loop3A_126 : vector<16xf32>
      %parallel_loop3A_128 = arith.select %parallel_loop3A_127, %broadcast_in_dim3A_28, %broadcast_in_dim3A_26 : vector<16xi1>, vector<16xf32>
      %parallel_loop3A_129 = arith.addf %parallel_loop3A_105, %parallel_loop3A_128 : vector<16xf32>
      %parallel_loop3A_130 = arith.constant 0 : i32
      %parallel_loop3A_131 = arith.addi %parallel_loop3A_114, %parallel_loop3A_130 : i32
      %parallel_loop3A_132 = arith.index_cast %parallel_loop3A_131 : i32 to index
      %parallel_loop3A_133 = tpu.vector_load %arg9[%parallel_loop3A_132] {strides = array<i32>} : memref<8192xf32, #tpu.memory_space<vmem>>, vector<16xf32>,
      %parallel_loop3A_134 = vector.shape_cast %parallel_loop3A_133 : vector<16xf32> to vector<16xf32>
      %parallel_loop3A_135 = arith.constant 0 : i32
      %parallel_loop3A_136 = arith.addi %parallel_loop3A_114, %parallel_loop3A_135 : i32
      %parallel_loop3A_137 = arith.index_cast %parallel_loop3A_136 : i32 to index
      %parallel_loop3A_138 = tpu.vector_load %arg10[%parallel_loop3A_137] {strides = array<i32>} : memref<8192xf32, #tpu.memory_space<vmem>>, vector<16xf32>,
      %parallel_loop3A_139 = vector.shape_cast %parallel_loop3A_138 : vector<16xf32> to vector<16xf32>
      %parallel_loop3A_140 = arith.subf %parallel_loop3A_134, %parallel_loop3A_139 : vector<16xf32>
      %parallel_loop3A_141 = math.absf %parallel_loop3A_140 : vector<16xf32>
      %parallel_loop3A_142 = arith.constant 1.000000e+00 : f32
      %parallel_loop3A_143 = vector.broadcast %parallel_loop3A_142 : f32 to vector<16xf32>
      %parallel_loop3A_144 = arith.minimumf %parallel_loop3A_141, %parallel_loop3A_143 : vector<16xf32>
      %parallel_loop3A_145 = arith.addf %parallel_loop3A_141, %parallel_loop3A_141 : vector<16xf32>
      %parallel_loop3A_146 = arith.subf %parallel_loop3A_145, %parallel_loop3A_144 : vector<16xf32>
      %parallel_loop3A_147 = arith.mulf %parallel_loop3A_144, %parallel_loop3A_146 : vector<16xf32>
      %parallel_loop3A_148 = arith.addf %broadcast_in_dim3A_26, %parallel_loop3A_147 : vector<16xf32>
      %parallel_loop3A_149 = arith.constant 128 : i32
      %parallel_loop3A_150 = arith.addi %parallel_loop3A_114, %parallel_loop3A_149 : i32
      %parallel_loop3A_151 = arith.index_cast %parallel_loop3A_150 : i32 to index
      %parallel_loop3A_152 = tpu.vector_load %arg9[%parallel_loop3A_151] {strides = array<i32>} : memref<8192xf32, #tpu.memory_space<vmem>>, vector<16xf32>,
      %parallel_loop3A_153 = vector.shape_cast %parallel_loop3A_152 : vector<16xf32> to vector<16xf32>
      %parallel_loop3A_154 = arith.constant 128 : i32
      %parallel_loop3A_155 = arith.addi %parallel_loop3A_114, %parallel_loop3A_154 : i32
      %parallel_loop3A_156 = arith.index_cast %parallel_loop3A_155 : i32 to index
      %parallel_loop3A_157 = tpu.vector_load %arg10[%parallel_loop3A_156] {strides = array<i32>} : memref<8192xf32, #tpu.memory_space<vmem>>, vector<16xf32>,
      %parallel_loop3A_158 = vector.shape_cast %parallel_loop3A_157 : vector<16xf32> to vector<16xf32>
      %parallel_loop3A_159 = arith.subf %parallel_loop3A_153, %parallel_loop3A_158 : vector<16xf32>
      %parallel_loop3A_160 = math.absf %parallel_loop3A_159 : vector<16xf32>
      %parallel_loop3A_161 = arith.constant 1.000000e+00 : f32
      %parallel_loop3A_162 = vector.broadcast %parallel_loop3A_161 : f32 to vector<16xf32>
      %parallel_loop3A_163 = arith.minimumf %parallel_loop3A_160, %parallel_loop3A_162 : vector<16xf32>
      %parallel_loop3A_164 = arith.addf %parallel_loop3A_160, %parallel_loop3A_160 : vector<16xf32>
      %parallel_loop3A_165 = arith.subf %parallel_loop3A_164, %parallel_loop3A_163 : vector<16xf32>
      %parallel_loop3A_166 = arith.mulf %parallel_loop3A_163, %parallel_loop3A_165 : vector<16xf32>
      %parallel_loop3A_167 = arith.addf %parallel_loop3A_148, %parallel_loop3A_166 : vector<16xf32>
      %parallel_loop3A_168 = arith.constant 256 : i32
      %parallel_loop3A_169 = arith.addi %parallel_loop3A_114, %parallel_loop3A_168 : i32
      %parallel_loop3A_170 = arith.index_cast %parallel_loop3A_169 : i32 to index
      %parallel_loop3A_171 = tpu.vector_load %arg9[%parallel_loop3A_170] {strides = array<i32>} : memref<8192xf32, #tpu.memory_space<vmem>>, vector<16xf32>,
      %parallel_loop3A_172 = vector.shape_cast %parallel_loop3A_171 : vector<16xf32> to vector<16xf32>
      %parallel_loop3A_173 = arith.constant 256 : i32
      %parallel_loop3A_174 = arith.addi %parallel_loop3A_114, %parallel_loop3A_173 : i32
      %parallel_loop3A_175 = arith.index_cast %parallel_loop3A_174 : i32 to index
      %parallel_loop3A_176 = tpu.vector_load %arg10[%parallel_loop3A_175] {strides = array<i32>} : memref<8192xf32, #tpu.memory_space<vmem>>, vector<16xf32>,
      %parallel_loop3A_177 = vector.shape_cast %parallel_loop3A_176 : vector<16xf32> to vector<16xf32>
      %parallel_loop3A_178 = arith.subf %parallel_loop3A_172, %parallel_loop3A_177 : vector<16xf32>
      %parallel_loop3A_179 = math.absf %parallel_loop3A_178 : vector<16xf32>
      %parallel_loop3A_180 = arith.constant 1.000000e+00 : f32
      %parallel_loop3A_181 = vector.broadcast %parallel_loop3A_180 : f32 to vector<16xf32>
      %parallel_loop3A_182 = arith.minimumf %parallel_loop3A_179, %parallel_loop3A_181 : vector<16xf32>
      %parallel_loop3A_183 = arith.addf %parallel_loop3A_179, %parallel_loop3A_179 : vector<16xf32>
      %parallel_loop3A_184 = arith.subf %parallel_loop3A_183, %parallel_loop3A_182 : vector<16xf32>
      %parallel_loop3A_185 = arith.mulf %parallel_loop3A_182, %parallel_loop3A_184 : vector<16xf32>
      %parallel_loop3A_186 = arith.addf %parallel_loop3A_167, %parallel_loop3A_185 : vector<16xf32>
      %parallel_loop3A_187 = arith.constant 384 : i32
      %parallel_loop3A_188 = arith.addi %parallel_loop3A_114, %parallel_loop3A_187 : i32
      %parallel_loop3A_189 = arith.index_cast %parallel_loop3A_188 : i32 to index
      %parallel_loop3A_190 = tpu.vector_load %arg9[%parallel_loop3A_189] {strides = array<i32>} : memref<8192xf32, #tpu.memory_space<vmem>>, vector<16xf32>,
      %parallel_loop3A_191 = vector.shape_cast %parallel_loop3A_190 : vector<16xf32> to vector<16xf32>
      %parallel_loop3A_192 = arith.constant 384 : i32
      %parallel_loop3A_193 = arith.addi %parallel_loop3A_114, %parallel_loop3A_192 : i32
      %parallel_loop3A_194 = arith.index_cast %parallel_loop3A_193 : i32 to index
      %parallel_loop3A_195 = tpu.vector_load %arg10[%parallel_loop3A_194] {strides = array<i32>} : memref<8192xf32, #tpu.memory_space<vmem>>, vector<16xf32>,
      %parallel_loop3A_196 = vector.shape_cast %parallel_loop3A_195 : vector<16xf32> to vector<16xf32>
      %parallel_loop3A_197 = arith.subf %parallel_loop3A_191, %parallel_loop3A_196 : vector<16xf32>
      %parallel_loop3A_198 = math.absf %parallel_loop3A_197 : vector<16xf32>
      %parallel_loop3A_199 = arith.constant 1.000000e+00 : f32
      %parallel_loop3A_200 = vector.broadcast %parallel_loop3A_199 : f32 to vector<16xf32>
      %parallel_loop3A_201 = arith.minimumf %parallel_loop3A_198, %parallel_loop3A_200 : vector<16xf32>
      %parallel_loop3A_202 = arith.addf %parallel_loop3A_198, %parallel_loop3A_198 : vector<16xf32>
      %parallel_loop3A_203 = arith.subf %parallel_loop3A_202, %parallel_loop3A_201 : vector<16xf32>
      %parallel_loop3A_204 = arith.mulf %parallel_loop3A_201, %parallel_loop3A_203 : vector<16xf32>
      %parallel_loop3A_205 = arith.addf %parallel_loop3A_186, %parallel_loop3A_204 : vector<16xf32>
      %parallel_loop3A_206 = arith.mulf %parallel_loop3A_123, %parallel_loop3A_205 : vector<16xf32>
      %parallel_loop3A_207 = arith.addf %parallel_loop3A_103, %parallel_loop3A_206 : vector<16xf32>
      scf.yield %parallel_loop3A_207, %parallel_loop3A_124, %parallel_loop3A_129 : vector<16xf32>, vector<16xf32>, vector<16xf32>
    } {sc.loop_unroll_factor = 2 : i64, sc.parallel_access}
    %swap3A = arith.constant 0 : index
    %swap3A_91 = tpu.vector_load %arg12[%swap3A] {strides = array<i32>} : memref<48xf32, #tpu.memory_space<vmem>>, vector<16xf32>,
    %swap3A_92 = vector.shape_cast %swap3A_91 : vector<16xf32> to vector<16xf32>
    %swap3A_93 = vector.shape_cast %parallel_loop3A_90#0 : vector<16xf32> to vector<16xf32>
    tpu.vector_store %arg12[%swap3A], %swap3A_93 {strides = array<i32>} : memref<48xf32, #tpu.memory_space<vmem>>, vector<16xf32>,
    %swap3A_94 = arith.constant 16 : index
    %swap3A_95 = tpu.vector_load %arg12[%swap3A_94] {strides = array<i32>} : memref<48xf32, #tpu.memory_space<vmem>>, vector<16xf32>,
    %swap3A_96 = vector.shape_cast %swap3A_95 : vector<16xf32> to vector<16xf32>
    %swap3A_97 = vector.shape_cast %parallel_loop3A_90#1 : vector<16xf32> to vector<16xf32>
    tpu.vector_store %arg12[%swap3A_94], %swap3A_97 {strides = array<i32>} : memref<48xf32, #tpu.memory_space<vmem>>, vector<16xf32>,
    %swap3A_98 = arith.constant 32 : index
    %swap3A_99 = tpu.vector_load %arg12[%swap3A_98] {strides = array<i32>} : memref<48xf32, #tpu.memory_space<vmem>>, vector<16xf32>,
    %swap3A_100 = vector.shape_cast %swap3A_99 : vector<16xf32> to vector<16xf32>
    %swap3A_101 = vector.shape_cast %parallel_loop3A_90#2 : vector<16xf32> to vector<16xf32>
    tpu.vector_store %arg12[%swap3A_98], %swap3A_101 {strides = array<i32>} : memref<48xf32, #tpu.memory_space<vmem>>, vector<16xf32>,
    "tpu.region"() ({
      %run_scoped3A = tpu.sem_alloc : memref<!tpu.dma_semaphore, #tpu.memory_space<semaphore_mem>>
      %dma_start3A_102 = arith.constant 0 : i32
      %dma_start3A_103 = tpu.memref_slice %arg5[%add3A, %dma_start3A_102] : memref<32x48xf32, #tpu.memory_space<hbm>> -> memref<1x48xf32, #tpu.memory_space<hbm>>
      %dma_start3A_104 = tpu.memref_squeeze %dma_start3A_103 : memref<1x48xf32, #tpu.memory_space<hbm>> -> memref<48xf32, #tpu.memory_space<hbm>>
      %dma_start3A_105 = arith.constant 0 : i32
      %dma_start3A_106 = tpu.memref_slice %arg5[%add3A, %dma_start3A_105] : memref<32x48xf32, #tpu.memory_space<hbm>> -> memref<1x48xf32, #tpu.memory_space<hbm>>
      %dma_start3A_107 = tpu.memref_squeeze %dma_start3A_106 : memref<1x48xf32, #tpu.memory_space<hbm>> -> memref<48xf32, #tpu.memory_space<hbm>>
      tpu.enqueue_dma source(%arg12 : memref<48xf32, #tpu.memory_space<vmem>>) target(%dma_start3A_107 : memref<48xf32, #tpu.memory_space<hbm>>) target_semaphore(%run_scoped3A : memref<!tpu.dma_semaphore, #tpu.memory_space<semaphore_mem>>)
      %dma_wait3A_108 = arith.constant 0 : i32
      %dma_wait3A_109 = tpu.memref_slice %arg5[%add3A, %dma_wait3A_108] : memref<32x48xf32, #tpu.memory_space<hbm>> -> memref<1x48xf32, #tpu.memory_space<hbm>>
      %dma_wait3A_110 = tpu.memref_squeeze %dma_wait3A_109 : memref<1x48xf32, #tpu.memory_space<hbm>> -> memref<48xf32, #tpu.memory_space<hbm>>
      %dma_wait3A_111 = arith.constant 0 : i32
      %dma_wait3A_112 = tpu.memref_slice %arg5[%add3A, %dma_wait3A_111] : memref<32x48xf32, #tpu.memory_space<hbm>> -> memref<1x48xf32, #tpu.memory_space<hbm>>
      %dma_wait3A_113 = tpu.memref_squeeze %dma_wait3A_112 : memref<1x48xf32, #tpu.memory_space<hbm>> -> memref<48xf32, #tpu.memory_space<hbm>>
      tpu.wait_dma2 semaphore(%run_scoped3A : memref<!tpu.dma_semaphore, #tpu.memory_space<semaphore_mem>>) src(%arg12 : memref<48xf32, #tpu.memory_space<vmem>>) dst(%dma_wait3A_113 : memref<48xf32, #tpu.memory_space<hbm>>)
      tpu.yield
    }) : () -> ()
    return
  }
}

module attributes {stable_mosaic.version = 14 : i64} {
  func.func @_tc_body(%arg0: memref<18432x128xf32, #tpu.memory_space<any>>, %arg1: memref<18432x128xf32, #tpu.memory_space<any>>, %arg2: memref<4608x128xf32, #tpu.memory_space<any>>, %arg3: memref<8x128xf32, #tpu.memory_space<vmem>>, %arg4: memref<1024x128xf32, #tpu.memory_space<vmem>>, %arg5: memref<1024x128xf32, #tpu.memory_space<vmem>>, %arg6: memref<256x128xf32, #tpu.memory_space<vmem>>, %arg7: memref<1024x128xf32, #tpu.memory_space<vmem>>, %arg8: memref<1024x128xf32, #tpu.memory_space<vmem>>, %arg9: memref<256x128xf32, #tpu.memory_space<vmem>>, %arg10: memref<!tpu.dma_semaphore, #tpu.memory_space<semaphore_mem>>, %arg11: memref<!tpu.dma_semaphore, #tpu.memory_space<semaphore_mem>>) attributes {dimension_semantics = [], scalar_prefetch = 0 : i64, scratch_operands = 8 : i64, tpu.core_type = #tpu.core_type<tc>} {
    %dma_start3A = arith.constant 8192 : i32
    %dma_start3A_0 = arith.constant 0 : i32
    %dma_start3A_1 = tpu.memref_slice %arg0[%dma_start3A, %dma_start3A_0] : memref<18432x128xf32, #tpu.memory_space<any>> -> memref<1024x128xf32, #tpu.memory_space<any>>
    tpu.enqueue_dma source(%dma_start3A_1 : memref<1024x128xf32, #tpu.memory_space<any>>) target(%arg4 : memref<1024x128xf32, #tpu.memory_space<vmem>>) target_semaphore(%arg10 : memref<!tpu.dma_semaphore, #tpu.memory_space<semaphore_mem>>)
    %dma_start3A_2 = arith.constant 8192 : i32
    %dma_start3A_3 = arith.constant 0 : i32
    %dma_start3A_4 = tpu.memref_slice %arg1[%dma_start3A_2, %dma_start3A_3] : memref<18432x128xf32, #tpu.memory_space<any>> -> memref<1024x128xf32, #tpu.memory_space<any>>
    tpu.enqueue_dma source(%dma_start3A_4 : memref<1024x128xf32, #tpu.memory_space<any>>) target(%arg5 : memref<1024x128xf32, #tpu.memory_space<vmem>>) target_semaphore(%arg10 : memref<!tpu.dma_semaphore, #tpu.memory_space<semaphore_mem>>)
    %dma_start3A_5 = arith.constant 2048 : i32
    %dma_start3A_6 = arith.constant 0 : i32
    %dma_start3A_7 = tpu.memref_slice %arg2[%dma_start3A_5, %dma_start3A_6] : memref<4608x128xf32, #tpu.memory_space<any>> -> memref<256x128xf32, #tpu.memory_space<any>>
    tpu.enqueue_dma source(%dma_start3A_7 : memref<256x128xf32, #tpu.memory_space<any>>) target(%arg6 : memref<256x128xf32, #tpu.memory_space<vmem>>) target_semaphore(%arg10 : memref<!tpu.dma_semaphore, #tpu.memory_space<semaphore_mem>>)
    %dma_start3A_8 = arith.constant 9216 : i32
    %dma_start3A_9 = arith.constant 0 : i32
    %dma_start3A_10 = tpu.memref_slice %arg0[%dma_start3A_8, %dma_start3A_9] : memref<18432x128xf32, #tpu.memory_space<any>> -> memref<1024x128xf32, #tpu.memory_space<any>>
    tpu.enqueue_dma source(%dma_start3A_10 : memref<1024x128xf32, #tpu.memory_space<any>>) target(%arg7 : memref<1024x128xf32, #tpu.memory_space<vmem>>) target_semaphore(%arg11 : memref<!tpu.dma_semaphore, #tpu.memory_space<semaphore_mem>>)
    %dma_start3A_11 = arith.constant 9216 : i32
    %dma_start3A_12 = arith.constant 0 : i32
    %dma_start3A_13 = tpu.memref_slice %arg1[%dma_start3A_11, %dma_start3A_12] : memref<18432x128xf32, #tpu.memory_space<any>> -> memref<1024x128xf32, #tpu.memory_space<any>>
    tpu.enqueue_dma source(%dma_start3A_13 : memref<1024x128xf32, #tpu.memory_space<any>>) target(%arg8 : memref<1024x128xf32, #tpu.memory_space<vmem>>) target_semaphore(%arg11 : memref<!tpu.dma_semaphore, #tpu.memory_space<semaphore_mem>>)
    %dma_start3A_14 = arith.constant 2304 : i32
    %dma_start3A_15 = arith.constant 0 : i32
    %dma_start3A_16 = tpu.memref_slice %arg2[%dma_start3A_14, %dma_start3A_15] : memref<4608x128xf32, #tpu.memory_space<any>> -> memref<256x128xf32, #tpu.memory_space<any>>
    tpu.enqueue_dma source(%dma_start3A_16 : memref<256x128xf32, #tpu.memory_space<any>>) target(%arg9 : memref<256x128xf32, #tpu.memory_space<vmem>>) target_semaphore(%arg11 : memref<!tpu.dma_semaphore, #tpu.memory_space<semaphore_mem>>)
    %broadcast_in_dim3A = arith.constant 0.000000e+00 : f32
    %broadcast_in_dim3A_17 = vector.broadcast %broadcast_in_dim3A : f32 to vector<128xf32>
    %broadcast_in_dim3A_18 = arith.constant 0.000000e+00 : f32
    %broadcast_in_dim3A_19 = vector.broadcast %broadcast_in_dim3A_18 : f32 to vector<128xf32>
    %broadcast_in_dim3A_20 = arith.constant 0.000000e+00 : f32
    %broadcast_in_dim3A_21 = vector.broadcast %broadcast_in_dim3A_20 : f32 to vector<128xf32>
    %dma_wait3A = arith.constant 8192 : i32
    %dma_wait3A_22 = arith.constant 0 : i32
    %dma_wait3A_23 = tpu.memref_slice %arg0[%dma_wait3A, %dma_wait3A_22] : memref<18432x128xf32, #tpu.memory_space<any>> -> memref<1024x128xf32, #tpu.memory_space<any>>
    tpu.wait_dma2 semaphore(%arg10 : memref<!tpu.dma_semaphore, #tpu.memory_space<semaphore_mem>>) src(%dma_wait3A_23 : memref<1024x128xf32, #tpu.memory_space<any>>) dst(%arg4 : memref<1024x128xf32, #tpu.memory_space<vmem>>)
    %dma_wait3A_24 = arith.constant 8192 : i32
    %dma_wait3A_25 = arith.constant 0 : i32
    %dma_wait3A_26 = tpu.memref_slice %arg1[%dma_wait3A_24, %dma_wait3A_25] : memref<18432x128xf32, #tpu.memory_space<any>> -> memref<1024x128xf32, #tpu.memory_space<any>>
    tpu.wait_dma2 semaphore(%arg10 : memref<!tpu.dma_semaphore, #tpu.memory_space<semaphore_mem>>) src(%dma_wait3A_26 : memref<1024x128xf32, #tpu.memory_space<any>>) dst(%arg5 : memref<1024x128xf32, #tpu.memory_space<vmem>>)
    %dma_wait3A_27 = arith.constant 2048 : i32
    %dma_wait3A_28 = arith.constant 0 : i32
    %dma_wait3A_29 = tpu.memref_slice %arg2[%dma_wait3A_27, %dma_wait3A_28] : memref<4608x128xf32, #tpu.memory_space<any>> -> memref<256x128xf32, #tpu.memory_space<any>>
    tpu.wait_dma2 semaphore(%arg10 : memref<!tpu.dma_semaphore, #tpu.memory_space<semaphore_mem>>) src(%dma_wait3A_29 : memref<256x128xf32, #tpu.memory_space<any>>) dst(%arg6 : memref<256x128xf32, #tpu.memory_space<vmem>>)
    %get3A = arith.constant 0 : index
    %get3A_30 = arith.constant 0 : index
    %get3A_31 = vector.load %arg6[%get3A, %get3A_30] : memref<256x128xf32, #tpu.memory_space<vmem>>, vector<256x128xf32>
    %gt3A = arith.constant 0.000000e+00 : f32
    %gt3A_32 = vector.broadcast %gt3A : f32 to vector<256x128xf32>
    %gt3A_33 = arith.cmpf ogt, %get3A_31, %gt3A_32 : vector<256x128xf32>
    %jit3A = arith.constant 1.000000e+00 : f32
    %jit3A_34 = arith.constant 0.000000e+00 : f32
    %broadcast_in_dim3A_35 = vector.broadcast %jit3A : f32 to vector<256x128xf32>
    %broadcast_in_dim3A_36 = vector.broadcast %jit3A_34 : f32 to vector<256x128xf32>
    %select_n3A = arith.select %gt3A_33, %broadcast_in_dim3A_35, %broadcast_in_dim3A_36 : vector<256x128xi1>, vector<256x128xf32>
    %broadcast_in_dim3A_37 = vector.shape_cast %select_n3A : vector<256x128xf32> to vector<256x1x128xf32>
    %broadcast_in_dim3A_38 = vector.shape_cast %broadcast_in_dim3A_37 : vector<256x1x128xf32> to vector<256x1x128xf32>
    %broadcast_in_dim3A_39 = vector.broadcast %broadcast_in_dim3A_38 : vector<256x1x128xf32> to vector<256x4x128xf32>
    %reshape3A = vector.shape_cast %broadcast_in_dim3A_39 : vector<256x4x128xf32> to vector<1024x128xf32>
    %get3A_40 = arith.constant 0 : index
    %get3A_41 = arith.constant 0 : index
    %get3A_42 = vector.load %arg4[%get3A_40, %get3A_41] : memref<1024x128xf32, #tpu.memory_space<vmem>>, vector<1024x128xf32>
    %get3A_43 = arith.constant 0 : index
    %get3A_44 = arith.constant 0 : index
    %get3A_45 = vector.load %arg5[%get3A_43, %get3A_44] : memref<1024x128xf32, #tpu.memory_space<vmem>>, vector<1024x128xf32>
    %sub3A = arith.subf %get3A_42, %get3A_45 : vector<1024x128xf32>
    %abs3A = math.absf %sub3A : vector<1024x128xf32>
    %min3A = arith.constant 1.000000e+00 : f32
    %min3A_46 = vector.broadcast %min3A : f32 to vector<1024x128xf32>
    %min3A_47 = arith.minimumf %abs3A, %min3A_46 : vector<1024x128xf32>
    %add3A = arith.addf %abs3A, %abs3A : vector<1024x128xf32>
    %sub3A_48 = arith.subf %add3A, %min3A_47 : vector<1024x128xf32>
    %mul3A = arith.mulf %min3A_47, %sub3A_48 : vector<1024x128xf32>
    %mul3A_49 = arith.mulf %reshape3A, %mul3A : vector<1024x128xf32>
    %reduce_sum3A = arith.constant dense<0.000000e+00> : vector<128xf32>
    %reduce_sum3A_50 = vector.multi_reduction <add>, %mul3A_49, %reduce_sum3A [0] : vector<1024x128xf32> to vector<128xf32>
    %add3A_51 = arith.addf %broadcast_in_dim3A_17, %reduce_sum3A_50 : vector<128xf32>
    %reduce_sum3A_52 = arith.constant dense<0.000000e+00> : vector<128xf32>
    %reduce_sum3A_53 = vector.multi_reduction <add>, %select_n3A, %reduce_sum3A_52 [0] : vector<256x128xf32> to vector<128xf32>
    %add3A_54 = arith.addf %broadcast_in_dim3A_19, %reduce_sum3A_53 : vector<128xf32>
    %ne3A = arith.constant -1.000000e+00 : f32
    %ne3A_55 = vector.broadcast %ne3A : f32 to vector<256x128xf32>
    %ne3A_56 = arith.cmpf one, %get3A_31, %ne3A_55 : vector<256x128xf32>
    %jit3A_57 = arith.constant 1.000000e+00 : f32
    %jit3A_58 = arith.constant 0.000000e+00 : f32
    %broadcast_in_dim3A_59 = vector.broadcast %jit3A_57 : f32 to vector<256x128xf32>
    %broadcast_in_dim3A_60 = vector.broadcast %jit3A_58 : f32 to vector<256x128xf32>
    %select_n3A_61 = arith.select %ne3A_56, %broadcast_in_dim3A_59, %broadcast_in_dim3A_60 : vector<256x128xi1>, vector<256x128xf32>
    %reduce_sum3A_62 = arith.constant dense<0.000000e+00> : vector<128xf32>
    %reduce_sum3A_63 = vector.multi_reduction <add>, %select_n3A_61, %reduce_sum3A_62 [0] : vector<256x128xf32> to vector<128xf32>
    %add3A_64 = arith.addf %broadcast_in_dim3A_21, %reduce_sum3A_63 : vector<128xf32>
    %dma_start3A_65 = arith.constant 10240 : i32
    %dma_start3A_66 = arith.constant 0 : i32
    %dma_start3A_67 = tpu.memref_slice %arg0[%dma_start3A_65, %dma_start3A_66] : memref<18432x128xf32, #tpu.memory_space<any>> -> memref<1024x128xf32, #tpu.memory_space<any>>
    tpu.enqueue_dma source(%dma_start3A_67 : memref<1024x128xf32, #tpu.memory_space<any>>) target(%arg4 : memref<1024x128xf32, #tpu.memory_space<vmem>>) target_semaphore(%arg10 : memref<!tpu.dma_semaphore, #tpu.memory_space<semaphore_mem>>)
    %dma_start3A_68 = arith.constant 10240 : i32
    %dma_start3A_69 = arith.constant 0 : i32
    %dma_start3A_70 = tpu.memref_slice %arg1[%dma_start3A_68, %dma_start3A_69] : memref<18432x128xf32, #tpu.memory_space<any>> -> memref<1024x128xf32, #tpu.memory_space<any>>
    tpu.enqueue_dma source(%dma_start3A_70 : memref<1024x128xf32, #tpu.memory_space<any>>) target(%arg5 : memref<1024x128xf32, #tpu.memory_space<vmem>>) target_semaphore(%arg10 : memref<!tpu.dma_semaphore, #tpu.memory_space<semaphore_mem>>)
    %dma_start3A_71 = arith.constant 2560 : i32
    %dma_start3A_72 = arith.constant 0 : i32
    %dma_start3A_73 = tpu.memref_slice %arg2[%dma_start3A_71, %dma_start3A_72] : memref<4608x128xf32, #tpu.memory_space<any>> -> memref<256x128xf32, #tpu.memory_space<any>>
    tpu.enqueue_dma source(%dma_start3A_73 : memref<256x128xf32, #tpu.memory_space<any>>) target(%arg6 : memref<256x128xf32, #tpu.memory_space<vmem>>) target_semaphore(%arg10 : memref<!tpu.dma_semaphore, #tpu.memory_space<semaphore_mem>>)
    %dma_wait3A_74 = arith.constant 9216 : i32
    %dma_wait3A_75 = arith.constant 0 : i32
    %dma_wait3A_76 = tpu.memref_slice %arg0[%dma_wait3A_74, %dma_wait3A_75] : memref<18432x128xf32, #tpu.memory_space<any>> -> memref<1024x128xf32, #tpu.memory_space<any>>
    tpu.wait_dma2 semaphore(%arg11 : memref<!tpu.dma_semaphore, #tpu.memory_space<semaphore_mem>>) src(%dma_wait3A_76 : memref<1024x128xf32, #tpu.memory_space<any>>) dst(%arg7 : memref<1024x128xf32, #tpu.memory_space<vmem>>)
    %dma_wait3A_77 = arith.constant 9216 : i32
    %dma_wait3A_78 = arith.constant 0 : i32
    %dma_wait3A_79 = tpu.memref_slice %arg1[%dma_wait3A_77, %dma_wait3A_78] : memref<18432x128xf32, #tpu.memory_space<any>> -> memref<1024x128xf32, #tpu.memory_space<any>>
    tpu.wait_dma2 semaphore(%arg11 : memref<!tpu.dma_semaphore, #tpu.memory_space<semaphore_mem>>) src(%dma_wait3A_79 : memref<1024x128xf32, #tpu.memory_space<any>>) dst(%arg8 : memref<1024x128xf32, #tpu.memory_space<vmem>>)
    %dma_wait3A_80 = arith.constant 2304 : i32
    %dma_wait3A_81 = arith.constant 0 : i32
    %dma_wait3A_82 = tpu.memref_slice %arg2[%dma_wait3A_80, %dma_wait3A_81] : memref<4608x128xf32, #tpu.memory_space<any>> -> memref<256x128xf32, #tpu.memory_space<any>>
    tpu.wait_dma2 semaphore(%arg11 : memref<!tpu.dma_semaphore, #tpu.memory_space<semaphore_mem>>) src(%dma_wait3A_82 : memref<256x128xf32, #tpu.memory_space<any>>) dst(%arg9 : memref<256x128xf32, #tpu.memory_space<vmem>>)
    %get3A_83 = arith.constant 0 : index
    %get3A_84 = arith.constant 0 : index
    %get3A_85 = vector.load %arg9[%get3A_83, %get3A_84] : memref<256x128xf32, #tpu.memory_space<vmem>>, vector<256x128xf32>
    %gt3A_86 = arith.constant 0.000000e+00 : f32
    %gt3A_87 = vector.broadcast %gt3A_86 : f32 to vector<256x128xf32>
    %gt3A_88 = arith.cmpf ogt, %get3A_85, %gt3A_87 : vector<256x128xf32>
    %jit3A_89 = arith.constant 1.000000e+00 : f32
    %jit3A_90 = arith.constant 0.000000e+00 : f32
    %broadcast_in_dim3A_91 = vector.broadcast %jit3A_89 : f32 to vector<256x128xf32>
    %broadcast_in_dim3A_92 = vector.broadcast %jit3A_90 : f32 to vector<256x128xf32>
    %select_n3A_93 = arith.select %gt3A_88, %broadcast_in_dim3A_91, %broadcast_in_dim3A_92 : vector<256x128xi1>, vector<256x128xf32>
    %broadcast_in_dim3A_94 = vector.shape_cast %select_n3A_93 : vector<256x128xf32> to vector<256x1x128xf32>
    %broadcast_in_dim3A_95 = vector.shape_cast %broadcast_in_dim3A_94 : vector<256x1x128xf32> to vector<256x1x128xf32>
    %broadcast_in_dim3A_96 = vector.broadcast %broadcast_in_dim3A_95 : vector<256x1x128xf32> to vector<256x4x128xf32>
    %reshape3A_97 = vector.shape_cast %broadcast_in_dim3A_96 : vector<256x4x128xf32> to vector<1024x128xf32>
    %get3A_98 = arith.constant 0 : index
    %get3A_99 = arith.constant 0 : index
    %get3A_100 = vector.load %arg7[%get3A_98, %get3A_99] : memref<1024x128xf32, #tpu.memory_space<vmem>>, vector<1024x128xf32>
    %get3A_101 = arith.constant 0 : index
    %get3A_102 = arith.constant 0 : index
    %get3A_103 = vector.load %arg8[%get3A_101, %get3A_102] : memref<1024x128xf32, #tpu.memory_space<vmem>>, vector<1024x128xf32>
    %sub3A_104 = arith.subf %get3A_100, %get3A_103 : vector<1024x128xf32>
    %abs3A_105 = math.absf %sub3A_104 : vector<1024x128xf32>
    %min3A_106 = arith.constant 1.000000e+00 : f32
    %min3A_107 = vector.broadcast %min3A_106 : f32 to vector<1024x128xf32>
    %min3A_108 = arith.minimumf %abs3A_105, %min3A_107 : vector<1024x128xf32>
    %add3A_109 = arith.addf %abs3A_105, %abs3A_105 : vector<1024x128xf32>
    %sub3A_110 = arith.subf %add3A_109, %min3A_108 : vector<1024x128xf32>
    %mul3A_111 = arith.mulf %min3A_108, %sub3A_110 : vector<1024x128xf32>
    %mul3A_112 = arith.mulf %reshape3A_97, %mul3A_111 : vector<1024x128xf32>
    %reduce_sum3A_113 = arith.constant dense<0.000000e+00> : vector<128xf32>
    %reduce_sum3A_114 = vector.multi_reduction <add>, %mul3A_112, %reduce_sum3A_113 [0] : vector<1024x128xf32> to vector<128xf32>
    %add3A_115 = arith.addf %add3A_51, %reduce_sum3A_114 : vector<128xf32>
    %reduce_sum3A_116 = arith.constant dense<0.000000e+00> : vector<128xf32>
    %reduce_sum3A_117 = vector.multi_reduction <add>, %select_n3A_93, %reduce_sum3A_116 [0] : vector<256x128xf32> to vector<128xf32>
    %add3A_118 = arith.addf %add3A_54, %reduce_sum3A_117 : vector<128xf32>
    %ne3A_119 = arith.constant -1.000000e+00 : f32
    %ne3A_120 = vector.broadcast %ne3A_119 : f32 to vector<256x128xf32>
    %ne3A_121 = arith.cmpf one, %get3A_85, %ne3A_120 : vector<256x128xf32>
    %jit3A_122 = arith.constant 1.000000e+00 : f32
    %jit3A_123 = arith.constant 0.000000e+00 : f32
    %broadcast_in_dim3A_124 = vector.broadcast %jit3A_122 : f32 to vector<256x128xf32>
    %broadcast_in_dim3A_125 = vector.broadcast %jit3A_123 : f32 to vector<256x128xf32>
    %select_n3A_126 = arith.select %ne3A_121, %broadcast_in_dim3A_124, %broadcast_in_dim3A_125 : vector<256x128xi1>, vector<256x128xf32>
    %reduce_sum3A_127 = arith.constant dense<0.000000e+00> : vector<128xf32>
    %reduce_sum3A_128 = vector.multi_reduction <add>, %select_n3A_126, %reduce_sum3A_127 [0] : vector<256x128xf32> to vector<128xf32>
    %add3A_129 = arith.addf %add3A_64, %reduce_sum3A_128 : vector<128xf32>
    %dma_start3A_130 = arith.constant 11264 : i32
    %dma_start3A_131 = arith.constant 0 : i32
    %dma_start3A_132 = tpu.memref_slice %arg0[%dma_start3A_130, %dma_start3A_131] : memref<18432x128xf32, #tpu.memory_space<any>> -> memref<1024x128xf32, #tpu.memory_space<any>>
    tpu.enqueue_dma source(%dma_start3A_132 : memref<1024x128xf32, #tpu.memory_space<any>>) target(%arg7 : memref<1024x128xf32, #tpu.memory_space<vmem>>) target_semaphore(%arg11 : memref<!tpu.dma_semaphore, #tpu.memory_space<semaphore_mem>>)
    %dma_start3A_133 = arith.constant 11264 : i32
    %dma_start3A_134 = arith.constant 0 : i32
    %dma_start3A_135 = tpu.memref_slice %arg1[%dma_start3A_133, %dma_start3A_134] : memref<18432x128xf32, #tpu.memory_space<any>> -> memref<1024x128xf32, #tpu.memory_space<any>>
    tpu.enqueue_dma source(%dma_start3A_135 : memref<1024x128xf32, #tpu.memory_space<any>>) target(%arg8 : memref<1024x128xf32, #tpu.memory_space<vmem>>) target_semaphore(%arg11 : memref<!tpu.dma_semaphore, #tpu.memory_space<semaphore_mem>>)
    %dma_start3A_136 = arith.constant 2816 : i32
    %dma_start3A_137 = arith.constant 0 : i32
    %dma_start3A_138 = tpu.memref_slice %arg2[%dma_start3A_136, %dma_start3A_137] : memref<4608x128xf32, #tpu.memory_space<any>> -> memref<256x128xf32, #tpu.memory_space<any>>
    tpu.enqueue_dma source(%dma_start3A_138 : memref<256x128xf32, #tpu.memory_space<any>>) target(%arg9 : memref<256x128xf32, #tpu.memory_space<vmem>>) target_semaphore(%arg11 : memref<!tpu.dma_semaphore, #tpu.memory_space<semaphore_mem>>)
    %dma_wait3A_139 = arith.constant 10240 : i32
    %dma_wait3A_140 = arith.constant 0 : i32
    %dma_wait3A_141 = tpu.memref_slice %arg0[%dma_wait3A_139, %dma_wait3A_140] : memref<18432x128xf32, #tpu.memory_space<any>> -> memref<1024x128xf32, #tpu.memory_space<any>>
    tpu.wait_dma2 semaphore(%arg10 : memref<!tpu.dma_semaphore, #tpu.memory_space<semaphore_mem>>) src(%dma_wait3A_141 : memref<1024x128xf32, #tpu.memory_space<any>>) dst(%arg4 : memref<1024x128xf32, #tpu.memory_space<vmem>>)
    %dma_wait3A_142 = arith.constant 10240 : i32
    %dma_wait3A_143 = arith.constant 0 : i32
    %dma_wait3A_144 = tpu.memref_slice %arg1[%dma_wait3A_142, %dma_wait3A_143] : memref<18432x128xf32, #tpu.memory_space<any>> -> memref<1024x128xf32, #tpu.memory_space<any>>
    tpu.wait_dma2 semaphore(%arg10 : memref<!tpu.dma_semaphore, #tpu.memory_space<semaphore_mem>>) src(%dma_wait3A_144 : memref<1024x128xf32, #tpu.memory_space<any>>) dst(%arg5 : memref<1024x128xf32, #tpu.memory_space<vmem>>)
    %dma_wait3A_145 = arith.constant 2560 : i32
    %dma_wait3A_146 = arith.constant 0 : i32
    %dma_wait3A_147 = tpu.memref_slice %arg2[%dma_wait3A_145, %dma_wait3A_146] : memref<4608x128xf32, #tpu.memory_space<any>> -> memref<256x128xf32, #tpu.memory_space<any>>
    tpu.wait_dma2 semaphore(%arg10 : memref<!tpu.dma_semaphore, #tpu.memory_space<semaphore_mem>>) src(%dma_wait3A_147 : memref<256x128xf32, #tpu.memory_space<any>>) dst(%arg6 : memref<256x128xf32, #tpu.memory_space<vmem>>)
    %get3A_148 = arith.constant 0 : index
    %get3A_149 = arith.constant 0 : index
    %get3A_150 = vector.load %arg6[%get3A_148, %get3A_149] : memref<256x128xf32, #tpu.memory_space<vmem>>, vector<256x128xf32>
    %gt3A_151 = arith.constant 0.000000e+00 : f32
    %gt3A_152 = vector.broadcast %gt3A_151 : f32 to vector<256x128xf32>
    %gt3A_153 = arith.cmpf ogt, %get3A_150, %gt3A_152 : vector<256x128xf32>
    %jit3A_154 = arith.constant 1.000000e+00 : f32
    %jit3A_155 = arith.constant 0.000000e+00 : f32
    %broadcast_in_dim3A_156 = vector.broadcast %jit3A_154 : f32 to vector<256x128xf32>
    %broadcast_in_dim3A_157 = vector.broadcast %jit3A_155 : f32 to vector<256x128xf32>
    %select_n3A_158 = arith.select %gt3A_153, %broadcast_in_dim3A_156, %broadcast_in_dim3A_157 : vector<256x128xi1>, vector<256x128xf32>
    %broadcast_in_dim3A_159 = vector.shape_cast %select_n3A_158 : vector<256x128xf32> to vector<256x1x128xf32>
    %broadcast_in_dim3A_160 = vector.shape_cast %broadcast_in_dim3A_159 : vector<256x1x128xf32> to vector<256x1x128xf32>
    %broadcast_in_dim3A_161 = vector.broadcast %broadcast_in_dim3A_160 : vector<256x1x128xf32> to vector<256x4x128xf32>
    %reshape3A_162 = vector.shape_cast %broadcast_in_dim3A_161 : vector<256x4x128xf32> to vector<1024x128xf32>
    %get3A_163 = arith.constant 0 : index
    %get3A_164 = arith.constant 0 : index
    %get3A_165 = vector.load %arg4[%get3A_163, %get3A_164] : memref<1024x128xf32, #tpu.memory_space<vmem>>, vector<1024x128xf32>
    %get3A_166 = arith.constant 0 : index
    %get3A_167 = arith.constant 0 : index
    %get3A_168 = vector.load %arg5[%get3A_166, %get3A_167] : memref<1024x128xf32, #tpu.memory_space<vmem>>, vector<1024x128xf32>
    %sub3A_169 = arith.subf %get3A_165, %get3A_168 : vector<1024x128xf32>
    %abs3A_170 = math.absf %sub3A_169 : vector<1024x128xf32>
    %min3A_171 = arith.constant 1.000000e+00 : f32
    %min3A_172 = vector.broadcast %min3A_171 : f32 to vector<1024x128xf32>
    %min3A_173 = arith.minimumf %abs3A_170, %min3A_172 : vector<1024x128xf32>
    %add3A_174 = arith.addf %abs3A_170, %abs3A_170 : vector<1024x128xf32>
    %sub3A_175 = arith.subf %add3A_174, %min3A_173 : vector<1024x128xf32>
    %mul3A_176 = arith.mulf %min3A_173, %sub3A_175 : vector<1024x128xf32>
    %mul3A_177 = arith.mulf %reshape3A_162, %mul3A_176 : vector<1024x128xf32>
    %reduce_sum3A_178 = arith.constant dense<0.000000e+00> : vector<128xf32>
    %reduce_sum3A_179 = vector.multi_reduction <add>, %mul3A_177, %reduce_sum3A_178 [0] : vector<1024x128xf32> to vector<128xf32>
    %add3A_180 = arith.addf %add3A_115, %reduce_sum3A_179 : vector<128xf32>
    %reduce_sum3A_181 = arith.constant dense<0.000000e+00> : vector<128xf32>
    %reduce_sum3A_182 = vector.multi_reduction <add>, %select_n3A_158, %reduce_sum3A_181 [0] : vector<256x128xf32> to vector<128xf32>
    %add3A_183 = arith.addf %add3A_118, %reduce_sum3A_182 : vector<128xf32>
    %ne3A_184 = arith.constant -1.000000e+00 : f32
    %ne3A_185 = vector.broadcast %ne3A_184 : f32 to vector<256x128xf32>
    %ne3A_186 = arith.cmpf one, %get3A_150, %ne3A_185 : vector<256x128xf32>
    %jit3A_187 = arith.constant 1.000000e+00 : f32
    %jit3A_188 = arith.constant 0.000000e+00 : f32
    %broadcast_in_dim3A_189 = vector.broadcast %jit3A_187 : f32 to vector<256x128xf32>
    %broadcast_in_dim3A_190 = vector.broadcast %jit3A_188 : f32 to vector<256x128xf32>
    %select_n3A_191 = arith.select %ne3A_186, %broadcast_in_dim3A_189, %broadcast_in_dim3A_190 : vector<256x128xi1>, vector<256x128xf32>
    %reduce_sum3A_192 = arith.constant dense<0.000000e+00> : vector<128xf32>
    %reduce_sum3A_193 = vector.multi_reduction <add>, %select_n3A_191, %reduce_sum3A_192 [0] : vector<256x128xf32> to vector<128xf32>
    %add3A_194 = arith.addf %add3A_129, %reduce_sum3A_193 : vector<128xf32>
    %dma_start3A_195 = arith.constant 12288 : i32
    %dma_start3A_196 = arith.constant 0 : i32
    %dma_start3A_197 = tpu.memref_slice %arg0[%dma_start3A_195, %dma_start3A_196] : memref<18432x128xf32, #tpu.memory_space<any>> -> memref<1024x128xf32, #tpu.memory_space<any>>
    tpu.enqueue_dma source(%dma_start3A_197 : memref<1024x128xf32, #tpu.memory_space<any>>) target(%arg4 : memref<1024x128xf32, #tpu.memory_space<vmem>>) target_semaphore(%arg10 : memref<!tpu.dma_semaphore, #tpu.memory_space<semaphore_mem>>)
    %dma_start3A_198 = arith.constant 12288 : i32
    %dma_start3A_199 = arith.constant 0 : i32
    %dma_start3A_200 = tpu.memref_slice %arg1[%dma_start3A_198, %dma_start3A_199] : memref<18432x128xf32, #tpu.memory_space<any>> -> memref<1024x128xf32, #tpu.memory_space<any>>
    tpu.enqueue_dma source(%dma_start3A_200 : memref<1024x128xf32, #tpu.memory_space<any>>) target(%arg5 : memref<1024x128xf32, #tpu.memory_space<vmem>>) target_semaphore(%arg10 : memref<!tpu.dma_semaphore, #tpu.memory_space<semaphore_mem>>)
    %dma_start3A_201 = arith.constant 3072 : i32
    %dma_start3A_202 = arith.constant 0 : i32
    %dma_start3A_203 = tpu.memref_slice %arg2[%dma_start3A_201, %dma_start3A_202] : memref<4608x128xf32, #tpu.memory_space<any>> -> memref<256x128xf32, #tpu.memory_space<any>>
    tpu.enqueue_dma source(%dma_start3A_203 : memref<256x128xf32, #tpu.memory_space<any>>) target(%arg6 : memref<256x128xf32, #tpu.memory_space<vmem>>) target_semaphore(%arg10 : memref<!tpu.dma_semaphore, #tpu.memory_space<semaphore_mem>>)
    %dma_wait3A_204 = arith.constant 11264 : i32
    %dma_wait3A_205 = arith.constant 0 : i32
    %dma_wait3A_206 = tpu.memref_slice %arg0[%dma_wait3A_204, %dma_wait3A_205] : memref<18432x128xf32, #tpu.memory_space<any>> -> memref<1024x128xf32, #tpu.memory_space<any>>
    tpu.wait_dma2 semaphore(%arg11 : memref<!tpu.dma_semaphore, #tpu.memory_space<semaphore_mem>>) src(%dma_wait3A_206 : memref<1024x128xf32, #tpu.memory_space<any>>) dst(%arg7 : memref<1024x128xf32, #tpu.memory_space<vmem>>)
    %dma_wait3A_207 = arith.constant 11264 : i32
    %dma_wait3A_208 = arith.constant 0 : i32
    %dma_wait3A_209 = tpu.memref_slice %arg1[%dma_wait3A_207, %dma_wait3A_208] : memref<18432x128xf32, #tpu.memory_space<any>> -> memref<1024x128xf32, #tpu.memory_space<any>>
    tpu.wait_dma2 semaphore(%arg11 : memref<!tpu.dma_semaphore, #tpu.memory_space<semaphore_mem>>) src(%dma_wait3A_209 : memref<1024x128xf32, #tpu.memory_space<any>>) dst(%arg8 : memref<1024x128xf32, #tpu.memory_space<vmem>>)
    %dma_wait3A_210 = arith.constant 2816 : i32
    %dma_wait3A_211 = arith.constant 0 : i32
    %dma_wait3A_212 = tpu.memref_slice %arg2[%dma_wait3A_210, %dma_wait3A_211] : memref<4608x128xf32, #tpu.memory_space<any>> -> memref<256x128xf32, #tpu.memory_space<any>>
    tpu.wait_dma2 semaphore(%arg11 : memref<!tpu.dma_semaphore, #tpu.memory_space<semaphore_mem>>) src(%dma_wait3A_212 : memref<256x128xf32, #tpu.memory_space<any>>) dst(%arg9 : memref<256x128xf32, #tpu.memory_space<vmem>>)
    %get3A_213 = arith.constant 0 : index
    %get3A_214 = arith.constant 0 : index
    %get3A_215 = vector.load %arg9[%get3A_213, %get3A_214] : memref<256x128xf32, #tpu.memory_space<vmem>>, vector<256x128xf32>
    %gt3A_216 = arith.constant 0.000000e+00 : f32
    %gt3A_217 = vector.broadcast %gt3A_216 : f32 to vector<256x128xf32>
    %gt3A_218 = arith.cmpf ogt, %get3A_215, %gt3A_217 : vector<256x128xf32>
    %jit3A_219 = arith.constant 1.000000e+00 : f32
    %jit3A_220 = arith.constant 0.000000e+00 : f32
    %broadcast_in_dim3A_221 = vector.broadcast %jit3A_219 : f32 to vector<256x128xf32>
    %broadcast_in_dim3A_222 = vector.broadcast %jit3A_220 : f32 to vector<256x128xf32>
    %select_n3A_223 = arith.select %gt3A_218, %broadcast_in_dim3A_221, %broadcast_in_dim3A_222 : vector<256x128xi1>, vector<256x128xf32>
    %broadcast_in_dim3A_224 = vector.shape_cast %select_n3A_223 : vector<256x128xf32> to vector<256x1x128xf32>
    %broadcast_in_dim3A_225 = vector.shape_cast %broadcast_in_dim3A_224 : vector<256x1x128xf32> to vector<256x1x128xf32>
    %broadcast_in_dim3A_226 = vector.broadcast %broadcast_in_dim3A_225 : vector<256x1x128xf32> to vector<256x4x128xf32>
    %reshape3A_227 = vector.shape_cast %broadcast_in_dim3A_226 : vector<256x4x128xf32> to vector<1024x128xf32>
    %get3A_228 = arith.constant 0 : index
    %get3A_229 = arith.constant 0 : index
    %get3A_230 = vector.load %arg7[%get3A_228, %get3A_229] : memref<1024x128xf32, #tpu.memory_space<vmem>>, vector<1024x128xf32>
    %get3A_231 = arith.constant 0 : index
    %get3A_232 = arith.constant 0 : index
    %get3A_233 = vector.load %arg8[%get3A_231, %get3A_232] : memref<1024x128xf32, #tpu.memory_space<vmem>>, vector<1024x128xf32>
    %sub3A_234 = arith.subf %get3A_230, %get3A_233 : vector<1024x128xf32>
    %abs3A_235 = math.absf %sub3A_234 : vector<1024x128xf32>
    %min3A_236 = arith.constant 1.000000e+00 : f32
    %min3A_237 = vector.broadcast %min3A_236 : f32 to vector<1024x128xf32>
    %min3A_238 = arith.minimumf %abs3A_235, %min3A_237 : vector<1024x128xf32>
    %add3A_239 = arith.addf %abs3A_235, %abs3A_235 : vector<1024x128xf32>
    %sub3A_240 = arith.subf %add3A_239, %min3A_238 : vector<1024x128xf32>
    %mul3A_241 = arith.mulf %min3A_238, %sub3A_240 : vector<1024x128xf32>
    %mul3A_242 = arith.mulf %reshape3A_227, %mul3A_241 : vector<1024x128xf32>
    %reduce_sum3A_243 = arith.constant dense<0.000000e+00> : vector<128xf32>
    %reduce_sum3A_244 = vector.multi_reduction <add>, %mul3A_242, %reduce_sum3A_243 [0] : vector<1024x128xf32> to vector<128xf32>
    %add3A_245 = arith.addf %add3A_180, %reduce_sum3A_244 : vector<128xf32>
    %reduce_sum3A_246 = arith.constant dense<0.000000e+00> : vector<128xf32>
    %reduce_sum3A_247 = vector.multi_reduction <add>, %select_n3A_223, %reduce_sum3A_246 [0] : vector<256x128xf32> to vector<128xf32>
    %add3A_248 = arith.addf %add3A_183, %reduce_sum3A_247 : vector<128xf32>
    %ne3A_249 = arith.constant -1.000000e+00 : f32
    %ne3A_250 = vector.broadcast %ne3A_249 : f32 to vector<256x128xf32>
    %ne3A_251 = arith.cmpf one, %get3A_215, %ne3A_250 : vector<256x128xf32>
    %jit3A_252 = arith.constant 1.000000e+00 : f32
    %jit3A_253 = arith.constant 0.000000e+00 : f32
    %broadcast_in_dim3A_254 = vector.broadcast %jit3A_252 : f32 to vector<256x128xf32>
    %broadcast_in_dim3A_255 = vector.broadcast %jit3A_253 : f32 to vector<256x128xf32>
    %select_n3A_256 = arith.select %ne3A_251, %broadcast_in_dim3A_254, %broadcast_in_dim3A_255 : vector<256x128xi1>, vector<256x128xf32>
    %reduce_sum3A_257 = arith.constant dense<0.000000e+00> : vector<128xf32>
    %reduce_sum3A_258 = vector.multi_reduction <add>, %select_n3A_256, %reduce_sum3A_257 [0] : vector<256x128xf32> to vector<128xf32>
    %add3A_259 = arith.addf %add3A_194, %reduce_sum3A_258 : vector<128xf32>
    %dma_start3A_260 = arith.constant 13312 : i32
    %dma_start3A_261 = arith.constant 0 : i32
    %dma_start3A_262 = tpu.memref_slice %arg0[%dma_start3A_260, %dma_start3A_261] : memref<18432x128xf32, #tpu.memory_space<any>> -> memref<1024x128xf32, #tpu.memory_space<any>>
    tpu.enqueue_dma source(%dma_start3A_262 : memref<1024x128xf32, #tpu.memory_space<any>>) target(%arg7 : memref<1024x128xf32, #tpu.memory_space<vmem>>) target_semaphore(%arg11 : memref<!tpu.dma_semaphore, #tpu.memory_space<semaphore_mem>>)
    %dma_start3A_263 = arith.constant 13312 : i32
    %dma_start3A_264 = arith.constant 0 : i32
    %dma_start3A_265 = tpu.memref_slice %arg1[%dma_start3A_263, %dma_start3A_264] : memref<18432x128xf32, #tpu.memory_space<any>> -> memref<1024x128xf32, #tpu.memory_space<any>>
    tpu.enqueue_dma source(%dma_start3A_265 : memref<1024x128xf32, #tpu.memory_space<any>>) target(%arg8 : memref<1024x128xf32, #tpu.memory_space<vmem>>) target_semaphore(%arg11 : memref<!tpu.dma_semaphore, #tpu.memory_space<semaphore_mem>>)
    %dma_start3A_266 = arith.constant 3328 : i32
    %dma_start3A_267 = arith.constant 0 : i32
    %dma_start3A_268 = tpu.memref_slice %arg2[%dma_start3A_266, %dma_start3A_267] : memref<4608x128xf32, #tpu.memory_space<any>> -> memref<256x128xf32, #tpu.memory_space<any>>
    tpu.enqueue_dma source(%dma_start3A_268 : memref<256x128xf32, #tpu.memory_space<any>>) target(%arg9 : memref<256x128xf32, #tpu.memory_space<vmem>>) target_semaphore(%arg11 : memref<!tpu.dma_semaphore, #tpu.memory_space<semaphore_mem>>)
    %dma_wait3A_269 = arith.constant 12288 : i32
    %dma_wait3A_270 = arith.constant 0 : i32
    %dma_wait3A_271 = tpu.memref_slice %arg0[%dma_wait3A_269, %dma_wait3A_270] : memref<18432x128xf32, #tpu.memory_space<any>> -> memref<1024x128xf32, #tpu.memory_space<any>>
    tpu.wait_dma2 semaphore(%arg10 : memref<!tpu.dma_semaphore, #tpu.memory_space<semaphore_mem>>) src(%dma_wait3A_271 : memref<1024x128xf32, #tpu.memory_space<any>>) dst(%arg4 : memref<1024x128xf32, #tpu.memory_space<vmem>>)
    %dma_wait3A_272 = arith.constant 12288 : i32
    %dma_wait3A_273 = arith.constant 0 : i32
    %dma_wait3A_274 = tpu.memref_slice %arg1[%dma_wait3A_272, %dma_wait3A_273] : memref<18432x128xf32, #tpu.memory_space<any>> -> memref<1024x128xf32, #tpu.memory_space<any>>
    tpu.wait_dma2 semaphore(%arg10 : memref<!tpu.dma_semaphore, #tpu.memory_space<semaphore_mem>>) src(%dma_wait3A_274 : memref<1024x128xf32, #tpu.memory_space<any>>) dst(%arg5 : memref<1024x128xf32, #tpu.memory_space<vmem>>)
    %dma_wait3A_275 = arith.constant 3072 : i32
    %dma_wait3A_276 = arith.constant 0 : i32
    %dma_wait3A_277 = tpu.memref_slice %arg2[%dma_wait3A_275, %dma_wait3A_276] : memref<4608x128xf32, #tpu.memory_space<any>> -> memref<256x128xf32, #tpu.memory_space<any>>
    tpu.wait_dma2 semaphore(%arg10 : memref<!tpu.dma_semaphore, #tpu.memory_space<semaphore_mem>>) src(%dma_wait3A_277 : memref<256x128xf32, #tpu.memory_space<any>>) dst(%arg6 : memref<256x128xf32, #tpu.memory_space<vmem>>)
    %get3A_278 = arith.constant 0 : index
    %get3A_279 = arith.constant 0 : index
    %get3A_280 = vector.load %arg6[%get3A_278, %get3A_279] : memref<256x128xf32, #tpu.memory_space<vmem>>, vector<256x128xf32>
    %gt3A_281 = arith.constant 0.000000e+00 : f32
    %gt3A_282 = vector.broadcast %gt3A_281 : f32 to vector<256x128xf32>
    %gt3A_283 = arith.cmpf ogt, %get3A_280, %gt3A_282 : vector<256x128xf32>
    %jit3A_284 = arith.constant 1.000000e+00 : f32
    %jit3A_285 = arith.constant 0.000000e+00 : f32
    %broadcast_in_dim3A_286 = vector.broadcast %jit3A_284 : f32 to vector<256x128xf32>
    %broadcast_in_dim3A_287 = vector.broadcast %jit3A_285 : f32 to vector<256x128xf32>
    %select_n3A_288 = arith.select %gt3A_283, %broadcast_in_dim3A_286, %broadcast_in_dim3A_287 : vector<256x128xi1>, vector<256x128xf32>
    %broadcast_in_dim3A_289 = vector.shape_cast %select_n3A_288 : vector<256x128xf32> to vector<256x1x128xf32>
    %broadcast_in_dim3A_290 = vector.shape_cast %broadcast_in_dim3A_289 : vector<256x1x128xf32> to vector<256x1x128xf32>
    %broadcast_in_dim3A_291 = vector.broadcast %broadcast_in_dim3A_290 : vector<256x1x128xf32> to vector<256x4x128xf32>
    %reshape3A_292 = vector.shape_cast %broadcast_in_dim3A_291 : vector<256x4x128xf32> to vector<1024x128xf32>
    %get3A_293 = arith.constant 0 : index
    %get3A_294 = arith.constant 0 : index
    %get3A_295 = vector.load %arg4[%get3A_293, %get3A_294] : memref<1024x128xf32, #tpu.memory_space<vmem>>, vector<1024x128xf32>
    %get3A_296 = arith.constant 0 : index
    %get3A_297 = arith.constant 0 : index
    %get3A_298 = vector.load %arg5[%get3A_296, %get3A_297] : memref<1024x128xf32, #tpu.memory_space<vmem>>, vector<1024x128xf32>
    %sub3A_299 = arith.subf %get3A_295, %get3A_298 : vector<1024x128xf32>
    %abs3A_300 = math.absf %sub3A_299 : vector<1024x128xf32>
    %min3A_301 = arith.constant 1.000000e+00 : f32
    %min3A_302 = vector.broadcast %min3A_301 : f32 to vector<1024x128xf32>
    %min3A_303 = arith.minimumf %abs3A_300, %min3A_302 : vector<1024x128xf32>
    %add3A_304 = arith.addf %abs3A_300, %abs3A_300 : vector<1024x128xf32>
    %sub3A_305 = arith.subf %add3A_304, %min3A_303 : vector<1024x128xf32>
    %mul3A_306 = arith.mulf %min3A_303, %sub3A_305 : vector<1024x128xf32>
    %mul3A_307 = arith.mulf %reshape3A_292, %mul3A_306 : vector<1024x128xf32>
    %reduce_sum3A_308 = arith.constant dense<0.000000e+00> : vector<128xf32>
    %reduce_sum3A_309 = vector.multi_reduction <add>, %mul3A_307, %reduce_sum3A_308 [0] : vector<1024x128xf32> to vector<128xf32>
    %add3A_310 = arith.addf %add3A_245, %reduce_sum3A_309 : vector<128xf32>
    %reduce_sum3A_311 = arith.constant dense<0.000000e+00> : vector<128xf32>
    %reduce_sum3A_312 = vector.multi_reduction <add>, %select_n3A_288, %reduce_sum3A_311 [0] : vector<256x128xf32> to vector<128xf32>
    %add3A_313 = arith.addf %add3A_248, %reduce_sum3A_312 : vector<128xf32>
    %ne3A_314 = arith.constant -1.000000e+00 : f32
    %ne3A_315 = vector.broadcast %ne3A_314 : f32 to vector<256x128xf32>
    %ne3A_316 = arith.cmpf one, %get3A_280, %ne3A_315 : vector<256x128xf32>
    %jit3A_317 = arith.constant 1.000000e+00 : f32
    %jit3A_318 = arith.constant 0.000000e+00 : f32
    %broadcast_in_dim3A_319 = vector.broadcast %jit3A_317 : f32 to vector<256x128xf32>
    %broadcast_in_dim3A_320 = vector.broadcast %jit3A_318 : f32 to vector<256x128xf32>
    %select_n3A_321 = arith.select %ne3A_316, %broadcast_in_dim3A_319, %broadcast_in_dim3A_320 : vector<256x128xi1>, vector<256x128xf32>
    %reduce_sum3A_322 = arith.constant dense<0.000000e+00> : vector<128xf32>
    %reduce_sum3A_323 = vector.multi_reduction <add>, %select_n3A_321, %reduce_sum3A_322 [0] : vector<256x128xf32> to vector<128xf32>
    %add3A_324 = arith.addf %add3A_259, %reduce_sum3A_323 : vector<128xf32>
    %dma_start3A_325 = arith.constant 14336 : i32
    %dma_start3A_326 = arith.constant 0 : i32
    %dma_start3A_327 = tpu.memref_slice %arg0[%dma_start3A_325, %dma_start3A_326] : memref<18432x128xf32, #tpu.memory_space<any>> -> memref<1024x128xf32, #tpu.memory_space<any>>
    tpu.enqueue_dma source(%dma_start3A_327 : memref<1024x128xf32, #tpu.memory_space<any>>) target(%arg4 : memref<1024x128xf32, #tpu.memory_space<vmem>>) target_semaphore(%arg10 : memref<!tpu.dma_semaphore, #tpu.memory_space<semaphore_mem>>)
    %dma_start3A_328 = arith.constant 14336 : i32
    %dma_start3A_329 = arith.constant 0 : i32
    %dma_start3A_330 = tpu.memref_slice %arg1[%dma_start3A_328, %dma_start3A_329] : memref<18432x128xf32, #tpu.memory_space<any>> -> memref<1024x128xf32, #tpu.memory_space<any>>
    tpu.enqueue_dma source(%dma_start3A_330 : memref<1024x128xf32, #tpu.memory_space<any>>) target(%arg5 : memref<1024x128xf32, #tpu.memory_space<vmem>>) target_semaphore(%arg10 : memref<!tpu.dma_semaphore, #tpu.memory_space<semaphore_mem>>)
    %dma_start3A_331 = arith.constant 3584 : i32
    %dma_start3A_332 = arith.constant 0 : i32
    %dma_start3A_333 = tpu.memref_slice %arg2[%dma_start3A_331, %dma_start3A_332] : memref<4608x128xf32, #tpu.memory_space<any>> -> memref<256x128xf32, #tpu.memory_space<any>>
    tpu.enqueue_dma source(%dma_start3A_333 : memref<256x128xf32, #tpu.memory_space<any>>) target(%arg6 : memref<256x128xf32, #tpu.memory_space<vmem>>) target_semaphore(%arg10 : memref<!tpu.dma_semaphore, #tpu.memory_space<semaphore_mem>>)
    %dma_wait3A_334 = arith.constant 13312 : i32
    %dma_wait3A_335 = arith.constant 0 : i32
    %dma_wait3A_336 = tpu.memref_slice %arg0[%dma_wait3A_334, %dma_wait3A_335] : memref<18432x128xf32, #tpu.memory_space<any>> -> memref<1024x128xf32, #tpu.memory_space<any>>
    tpu.wait_dma2 semaphore(%arg11 : memref<!tpu.dma_semaphore, #tpu.memory_space<semaphore_mem>>) src(%dma_wait3A_336 : memref<1024x128xf32, #tpu.memory_space<any>>) dst(%arg7 : memref<1024x128xf32, #tpu.memory_space<vmem>>)
    %dma_wait3A_337 = arith.constant 13312 : i32
    %dma_wait3A_338 = arith.constant 0 : i32
    %dma_wait3A_339 = tpu.memref_slice %arg1[%dma_wait3A_337, %dma_wait3A_338] : memref<18432x128xf32, #tpu.memory_space<any>> -> memref<1024x128xf32, #tpu.memory_space<any>>
    tpu.wait_dma2 semaphore(%arg11 : memref<!tpu.dma_semaphore, #tpu.memory_space<semaphore_mem>>) src(%dma_wait3A_339 : memref<1024x128xf32, #tpu.memory_space<any>>) dst(%arg8 : memref<1024x128xf32, #tpu.memory_space<vmem>>)
    %dma_wait3A_340 = arith.constant 3328 : i32
    %dma_wait3A_341 = arith.constant 0 : i32
    %dma_wait3A_342 = tpu.memref_slice %arg2[%dma_wait3A_340, %dma_wait3A_341] : memref<4608x128xf32, #tpu.memory_space<any>> -> memref<256x128xf32, #tpu.memory_space<any>>
    tpu.wait_dma2 semaphore(%arg11 : memref<!tpu.dma_semaphore, #tpu.memory_space<semaphore_mem>>) src(%dma_wait3A_342 : memref<256x128xf32, #tpu.memory_space<any>>) dst(%arg9 : memref<256x128xf32, #tpu.memory_space<vmem>>)
    %get3A_343 = arith.constant 0 : index
    %get3A_344 = arith.constant 0 : index
    %get3A_345 = vector.load %arg9[%get3A_343, %get3A_344] : memref<256x128xf32, #tpu.memory_space<vmem>>, vector<256x128xf32>
    %gt3A_346 = arith.constant 0.000000e+00 : f32
    %gt3A_347 = vector.broadcast %gt3A_346 : f32 to vector<256x128xf32>
    %gt3A_348 = arith.cmpf ogt, %get3A_345, %gt3A_347 : vector<256x128xf32>
    %jit3A_349 = arith.constant 1.000000e+00 : f32
    %jit3A_350 = arith.constant 0.000000e+00 : f32
    %broadcast_in_dim3A_351 = vector.broadcast %jit3A_349 : f32 to vector<256x128xf32>
    %broadcast_in_dim3A_352 = vector.broadcast %jit3A_350 : f32 to vector<256x128xf32>
    %select_n3A_353 = arith.select %gt3A_348, %broadcast_in_dim3A_351, %broadcast_in_dim3A_352 : vector<256x128xi1>, vector<256x128xf32>
    %broadcast_in_dim3A_354 = vector.shape_cast %select_n3A_353 : vector<256x128xf32> to vector<256x1x128xf32>
    %broadcast_in_dim3A_355 = vector.shape_cast %broadcast_in_dim3A_354 : vector<256x1x128xf32> to vector<256x1x128xf32>
    %broadcast_in_dim3A_356 = vector.broadcast %broadcast_in_dim3A_355 : vector<256x1x128xf32> to vector<256x4x128xf32>
    %reshape3A_357 = vector.shape_cast %broadcast_in_dim3A_356 : vector<256x4x128xf32> to vector<1024x128xf32>
    %get3A_358 = arith.constant 0 : index
    %get3A_359 = arith.constant 0 : index
    %get3A_360 = vector.load %arg7[%get3A_358, %get3A_359] : memref<1024x128xf32, #tpu.memory_space<vmem>>, vector<1024x128xf32>
    %get3A_361 = arith.constant 0 : index
    %get3A_362 = arith.constant 0 : index
    %get3A_363 = vector.load %arg8[%get3A_361, %get3A_362] : memref<1024x128xf32, #tpu.memory_space<vmem>>, vector<1024x128xf32>
    %sub3A_364 = arith.subf %get3A_360, %get3A_363 : vector<1024x128xf32>
    %abs3A_365 = math.absf %sub3A_364 : vector<1024x128xf32>
    %min3A_366 = arith.constant 1.000000e+00 : f32
    %min3A_367 = vector.broadcast %min3A_366 : f32 to vector<1024x128xf32>
    %min3A_368 = arith.minimumf %abs3A_365, %min3A_367 : vector<1024x128xf32>
    %add3A_369 = arith.addf %abs3A_365, %abs3A_365 : vector<1024x128xf32>
    %sub3A_370 = arith.subf %add3A_369, %min3A_368 : vector<1024x128xf32>
    %mul3A_371 = arith.mulf %min3A_368, %sub3A_370 : vector<1024x128xf32>
    %mul3A_372 = arith.mulf %reshape3A_357, %mul3A_371 : vector<1024x128xf32>
    %reduce_sum3A_373 = arith.constant dense<0.000000e+00> : vector<128xf32>
    %reduce_sum3A_374 = vector.multi_reduction <add>, %mul3A_372, %reduce_sum3A_373 [0] : vector<1024x128xf32> to vector<128xf32>
    %add3A_375 = arith.addf %add3A_310, %reduce_sum3A_374 : vector<128xf32>
    %reduce_sum3A_376 = arith.constant dense<0.000000e+00> : vector<128xf32>
    %reduce_sum3A_377 = vector.multi_reduction <add>, %select_n3A_353, %reduce_sum3A_376 [0] : vector<256x128xf32> to vector<128xf32>
    %add3A_378 = arith.addf %add3A_313, %reduce_sum3A_377 : vector<128xf32>
    %ne3A_379 = arith.constant -1.000000e+00 : f32
    %ne3A_380 = vector.broadcast %ne3A_379 : f32 to vector<256x128xf32>
    %ne3A_381 = arith.cmpf one, %get3A_345, %ne3A_380 : vector<256x128xf32>
    %jit3A_382 = arith.constant 1.000000e+00 : f32
    %jit3A_383 = arith.constant 0.000000e+00 : f32
    %broadcast_in_dim3A_384 = vector.broadcast %jit3A_382 : f32 to vector<256x128xf32>
    %broadcast_in_dim3A_385 = vector.broadcast %jit3A_383 : f32 to vector<256x128xf32>
    %select_n3A_386 = arith.select %ne3A_381, %broadcast_in_dim3A_384, %broadcast_in_dim3A_385 : vector<256x128xi1>, vector<256x128xf32>
    %reduce_sum3A_387 = arith.constant dense<0.000000e+00> : vector<128xf32>
    %reduce_sum3A_388 = vector.multi_reduction <add>, %select_n3A_386, %reduce_sum3A_387 [0] : vector<256x128xf32> to vector<128xf32>
    %add3A_389 = arith.addf %add3A_324, %reduce_sum3A_388 : vector<128xf32>
    %dma_start3A_390 = arith.constant 15360 : i32
    %dma_start3A_391 = arith.constant 0 : i32
    %dma_start3A_392 = tpu.memref_slice %arg0[%dma_start3A_390, %dma_start3A_391] : memref<18432x128xf32, #tpu.memory_space<any>> -> memref<1024x128xf32, #tpu.memory_space<any>>
    tpu.enqueue_dma source(%dma_start3A_392 : memref<1024x128xf32, #tpu.memory_space<any>>) target(%arg7 : memref<1024x128xf32, #tpu.memory_space<vmem>>) target_semaphore(%arg11 : memref<!tpu.dma_semaphore, #tpu.memory_space<semaphore_mem>>)
    %dma_start3A_393 = arith.constant 15360 : i32
    %dma_start3A_394 = arith.constant 0 : i32
    %dma_start3A_395 = tpu.memref_slice %arg1[%dma_start3A_393, %dma_start3A_394] : memref<18432x128xf32, #tpu.memory_space<any>> -> memref<1024x128xf32, #tpu.memory_space<any>>
    tpu.enqueue_dma source(%dma_start3A_395 : memref<1024x128xf32, #tpu.memory_space<any>>) target(%arg8 : memref<1024x128xf32, #tpu.memory_space<vmem>>) target_semaphore(%arg11 : memref<!tpu.dma_semaphore, #tpu.memory_space<semaphore_mem>>)
    %dma_start3A_396 = arith.constant 3840 : i32
    %dma_start3A_397 = arith.constant 0 : i32
    %dma_start3A_398 = tpu.memref_slice %arg2[%dma_start3A_396, %dma_start3A_397] : memref<4608x128xf32, #tpu.memory_space<any>> -> memref<256x128xf32, #tpu.memory_space<any>>
    tpu.enqueue_dma source(%dma_start3A_398 : memref<256x128xf32, #tpu.memory_space<any>>) target(%arg9 : memref<256x128xf32, #tpu.memory_space<vmem>>) target_semaphore(%arg11 : memref<!tpu.dma_semaphore, #tpu.memory_space<semaphore_mem>>)
    %dma_wait3A_399 = arith.constant 14336 : i32
    %dma_wait3A_400 = arith.constant 0 : i32
    %dma_wait3A_401 = tpu.memref_slice %arg0[%dma_wait3A_399, %dma_wait3A_400] : memref<18432x128xf32, #tpu.memory_space<any>> -> memref<1024x128xf32, #tpu.memory_space<any>>
    tpu.wait_dma2 semaphore(%arg10 : memref<!tpu.dma_semaphore, #tpu.memory_space<semaphore_mem>>) src(%dma_wait3A_401 : memref<1024x128xf32, #tpu.memory_space<any>>) dst(%arg4 : memref<1024x128xf32, #tpu.memory_space<vmem>>)
    %dma_wait3A_402 = arith.constant 14336 : i32
    %dma_wait3A_403 = arith.constant 0 : i32
    %dma_wait3A_404 = tpu.memref_slice %arg1[%dma_wait3A_402, %dma_wait3A_403] : memref<18432x128xf32, #tpu.memory_space<any>> -> memref<1024x128xf32, #tpu.memory_space<any>>
    tpu.wait_dma2 semaphore(%arg10 : memref<!tpu.dma_semaphore, #tpu.memory_space<semaphore_mem>>) src(%dma_wait3A_404 : memref<1024x128xf32, #tpu.memory_space<any>>) dst(%arg5 : memref<1024x128xf32, #tpu.memory_space<vmem>>)
    %dma_wait3A_405 = arith.constant 3584 : i32
    %dma_wait3A_406 = arith.constant 0 : i32
    %dma_wait3A_407 = tpu.memref_slice %arg2[%dma_wait3A_405, %dma_wait3A_406] : memref<4608x128xf32, #tpu.memory_space<any>> -> memref<256x128xf32, #tpu.memory_space<any>>
    tpu.wait_dma2 semaphore(%arg10 : memref<!tpu.dma_semaphore, #tpu.memory_space<semaphore_mem>>) src(%dma_wait3A_407 : memref<256x128xf32, #tpu.memory_space<any>>) dst(%arg6 : memref<256x128xf32, #tpu.memory_space<vmem>>)
    %get3A_408 = arith.constant 0 : index
    %get3A_409 = arith.constant 0 : index
    %get3A_410 = vector.load %arg6[%get3A_408, %get3A_409] : memref<256x128xf32, #tpu.memory_space<vmem>>, vector<256x128xf32>
    %gt3A_411 = arith.constant 0.000000e+00 : f32
    %gt3A_412 = vector.broadcast %gt3A_411 : f32 to vector<256x128xf32>
    %gt3A_413 = arith.cmpf ogt, %get3A_410, %gt3A_412 : vector<256x128xf32>
    %jit3A_414 = arith.constant 1.000000e+00 : f32
    %jit3A_415 = arith.constant 0.000000e+00 : f32
    %broadcast_in_dim3A_416 = vector.broadcast %jit3A_414 : f32 to vector<256x128xf32>
    %broadcast_in_dim3A_417 = vector.broadcast %jit3A_415 : f32 to vector<256x128xf32>
    %select_n3A_418 = arith.select %gt3A_413, %broadcast_in_dim3A_416, %broadcast_in_dim3A_417 : vector<256x128xi1>, vector<256x128xf32>
    %broadcast_in_dim3A_419 = vector.shape_cast %select_n3A_418 : vector<256x128xf32> to vector<256x1x128xf32>
    %broadcast_in_dim3A_420 = vector.shape_cast %broadcast_in_dim3A_419 : vector<256x1x128xf32> to vector<256x1x128xf32>
    %broadcast_in_dim3A_421 = vector.broadcast %broadcast_in_dim3A_420 : vector<256x1x128xf32> to vector<256x4x128xf32>
    %reshape3A_422 = vector.shape_cast %broadcast_in_dim3A_421 : vector<256x4x128xf32> to vector<1024x128xf32>
    %get3A_423 = arith.constant 0 : index
    %get3A_424 = arith.constant 0 : index
    %get3A_425 = vector.load %arg4[%get3A_423, %get3A_424] : memref<1024x128xf32, #tpu.memory_space<vmem>>, vector<1024x128xf32>
    %get3A_426 = arith.constant 0 : index
    %get3A_427 = arith.constant 0 : index
    %get3A_428 = vector.load %arg5[%get3A_426, %get3A_427] : memref<1024x128xf32, #tpu.memory_space<vmem>>, vector<1024x128xf32>
    %sub3A_429 = arith.subf %get3A_425, %get3A_428 : vector<1024x128xf32>
    %abs3A_430 = math.absf %sub3A_429 : vector<1024x128xf32>
    %min3A_431 = arith.constant 1.000000e+00 : f32
    %min3A_432 = vector.broadcast %min3A_431 : f32 to vector<1024x128xf32>
    %min3A_433 = arith.minimumf %abs3A_430, %min3A_432 : vector<1024x128xf32>
    %add3A_434 = arith.addf %abs3A_430, %abs3A_430 : vector<1024x128xf32>
    %sub3A_435 = arith.subf %add3A_434, %min3A_433 : vector<1024x128xf32>
    %mul3A_436 = arith.mulf %min3A_433, %sub3A_435 : vector<1024x128xf32>
    %mul3A_437 = arith.mulf %reshape3A_422, %mul3A_436 : vector<1024x128xf32>
    %reduce_sum3A_438 = arith.constant dense<0.000000e+00> : vector<128xf32>
    %reduce_sum3A_439 = vector.multi_reduction <add>, %mul3A_437, %reduce_sum3A_438 [0] : vector<1024x128xf32> to vector<128xf32>
    %add3A_440 = arith.addf %add3A_375, %reduce_sum3A_439 : vector<128xf32>
    %reduce_sum3A_441 = arith.constant dense<0.000000e+00> : vector<128xf32>
    %reduce_sum3A_442 = vector.multi_reduction <add>, %select_n3A_418, %reduce_sum3A_441 [0] : vector<256x128xf32> to vector<128xf32>
    %add3A_443 = arith.addf %add3A_378, %reduce_sum3A_442 : vector<128xf32>
    %ne3A_444 = arith.constant -1.000000e+00 : f32
    %ne3A_445 = vector.broadcast %ne3A_444 : f32 to vector<256x128xf32>
    %ne3A_446 = arith.cmpf one, %get3A_410, %ne3A_445 : vector<256x128xf32>
    %jit3A_447 = arith.constant 1.000000e+00 : f32
    %jit3A_448 = arith.constant 0.000000e+00 : f32
    %broadcast_in_dim3A_449 = vector.broadcast %jit3A_447 : f32 to vector<256x128xf32>
    %broadcast_in_dim3A_450 = vector.broadcast %jit3A_448 : f32 to vector<256x128xf32>
    %select_n3A_451 = arith.select %ne3A_446, %broadcast_in_dim3A_449, %broadcast_in_dim3A_450 : vector<256x128xi1>, vector<256x128xf32>
    %reduce_sum3A_452 = arith.constant dense<0.000000e+00> : vector<128xf32>
    %reduce_sum3A_453 = vector.multi_reduction <add>, %select_n3A_451, %reduce_sum3A_452 [0] : vector<256x128xf32> to vector<128xf32>
    %add3A_454 = arith.addf %add3A_389, %reduce_sum3A_453 : vector<128xf32>
    %dma_start3A_455 = arith.constant 16384 : i32
    %dma_start3A_456 = arith.constant 0 : i32
    %dma_start3A_457 = tpu.memref_slice %arg0[%dma_start3A_455, %dma_start3A_456] : memref<18432x128xf32, #tpu.memory_space<any>> -> memref<1024x128xf32, #tpu.memory_space<any>>
    tpu.enqueue_dma source(%dma_start3A_457 : memref<1024x128xf32, #tpu.memory_space<any>>) target(%arg4 : memref<1024x128xf32, #tpu.memory_space<vmem>>) target_semaphore(%arg10 : memref<!tpu.dma_semaphore, #tpu.memory_space<semaphore_mem>>)
    %dma_start3A_458 = arith.constant 16384 : i32
    %dma_start3A_459 = arith.constant 0 : i32
    %dma_start3A_460 = tpu.memref_slice %arg1[%dma_start3A_458, %dma_start3A_459] : memref<18432x128xf32, #tpu.memory_space<any>> -> memref<1024x128xf32, #tpu.memory_space<any>>
    tpu.enqueue_dma source(%dma_start3A_460 : memref<1024x128xf32, #tpu.memory_space<any>>) target(%arg5 : memref<1024x128xf32, #tpu.memory_space<vmem>>) target_semaphore(%arg10 : memref<!tpu.dma_semaphore, #tpu.memory_space<semaphore_mem>>)
    %dma_start3A_461 = arith.constant 4096 : i32
    %dma_start3A_462 = arith.constant 0 : i32
    %dma_start3A_463 = tpu.memref_slice %arg2[%dma_start3A_461, %dma_start3A_462] : memref<4608x128xf32, #tpu.memory_space<any>> -> memref<256x128xf32, #tpu.memory_space<any>>
    tpu.enqueue_dma source(%dma_start3A_463 : memref<256x128xf32, #tpu.memory_space<any>>) target(%arg6 : memref<256x128xf32, #tpu.memory_space<vmem>>) target_semaphore(%arg10 : memref<!tpu.dma_semaphore, #tpu.memory_space<semaphore_mem>>)
    %dma_wait3A_464 = arith.constant 15360 : i32
    %dma_wait3A_465 = arith.constant 0 : i32
    %dma_wait3A_466 = tpu.memref_slice %arg0[%dma_wait3A_464, %dma_wait3A_465] : memref<18432x128xf32, #tpu.memory_space<any>> -> memref<1024x128xf32, #tpu.memory_space<any>>
    tpu.wait_dma2 semaphore(%arg11 : memref<!tpu.dma_semaphore, #tpu.memory_space<semaphore_mem>>) src(%dma_wait3A_466 : memref<1024x128xf32, #tpu.memory_space<any>>) dst(%arg7 : memref<1024x128xf32, #tpu.memory_space<vmem>>)
    %dma_wait3A_467 = arith.constant 15360 : i32
    %dma_wait3A_468 = arith.constant 0 : i32
    %dma_wait3A_469 = tpu.memref_slice %arg1[%dma_wait3A_467, %dma_wait3A_468] : memref<18432x128xf32, #tpu.memory_space<any>> -> memref<1024x128xf32, #tpu.memory_space<any>>
    tpu.wait_dma2 semaphore(%arg11 : memref<!tpu.dma_semaphore, #tpu.memory_space<semaphore_mem>>) src(%dma_wait3A_469 : memref<1024x128xf32, #tpu.memory_space<any>>) dst(%arg8 : memref<1024x128xf32, #tpu.memory_space<vmem>>)
    %dma_wait3A_470 = arith.constant 3840 : i32
    %dma_wait3A_471 = arith.constant 0 : i32
    %dma_wait3A_472 = tpu.memref_slice %arg2[%dma_wait3A_470, %dma_wait3A_471] : memref<4608x128xf32, #tpu.memory_space<any>> -> memref<256x128xf32, #tpu.memory_space<any>>
    tpu.wait_dma2 semaphore(%arg11 : memref<!tpu.dma_semaphore, #tpu.memory_space<semaphore_mem>>) src(%dma_wait3A_472 : memref<256x128xf32, #tpu.memory_space<any>>) dst(%arg9 : memref<256x128xf32, #tpu.memory_space<vmem>>)
    %get3A_473 = arith.constant 0 : index
    %get3A_474 = arith.constant 0 : index
    %get3A_475 = vector.load %arg9[%get3A_473, %get3A_474] : memref<256x128xf32, #tpu.memory_space<vmem>>, vector<256x128xf32>
    %gt3A_476 = arith.constant 0.000000e+00 : f32
    %gt3A_477 = vector.broadcast %gt3A_476 : f32 to vector<256x128xf32>
    %gt3A_478 = arith.cmpf ogt, %get3A_475, %gt3A_477 : vector<256x128xf32>
    %jit3A_479 = arith.constant 1.000000e+00 : f32
    %jit3A_480 = arith.constant 0.000000e+00 : f32
    %broadcast_in_dim3A_481 = vector.broadcast %jit3A_479 : f32 to vector<256x128xf32>
    %broadcast_in_dim3A_482 = vector.broadcast %jit3A_480 : f32 to vector<256x128xf32>
    %select_n3A_483 = arith.select %gt3A_478, %broadcast_in_dim3A_481, %broadcast_in_dim3A_482 : vector<256x128xi1>, vector<256x128xf32>
    %broadcast_in_dim3A_484 = vector.shape_cast %select_n3A_483 : vector<256x128xf32> to vector<256x1x128xf32>
    %broadcast_in_dim3A_485 = vector.shape_cast %broadcast_in_dim3A_484 : vector<256x1x128xf32> to vector<256x1x128xf32>
    %broadcast_in_dim3A_486 = vector.broadcast %broadcast_in_dim3A_485 : vector<256x1x128xf32> to vector<256x4x128xf32>
    %reshape3A_487 = vector.shape_cast %broadcast_in_dim3A_486 : vector<256x4x128xf32> to vector<1024x128xf32>
    %get3A_488 = arith.constant 0 : index
    %get3A_489 = arith.constant 0 : index
    %get3A_490 = vector.load %arg7[%get3A_488, %get3A_489] : memref<1024x128xf32, #tpu.memory_space<vmem>>, vector<1024x128xf32>
    %get3A_491 = arith.constant 0 : index
    %get3A_492 = arith.constant 0 : index
    %get3A_493 = vector.load %arg8[%get3A_491, %get3A_492] : memref<1024x128xf32, #tpu.memory_space<vmem>>, vector<1024x128xf32>
    %sub3A_494 = arith.subf %get3A_490, %get3A_493 : vector<1024x128xf32>
    %abs3A_495 = math.absf %sub3A_494 : vector<1024x128xf32>
    %min3A_496 = arith.constant 1.000000e+00 : f32
    %min3A_497 = vector.broadcast %min3A_496 : f32 to vector<1024x128xf32>
    %min3A_498 = arith.minimumf %abs3A_495, %min3A_497 : vector<1024x128xf32>
    %add3A_499 = arith.addf %abs3A_495, %abs3A_495 : vector<1024x128xf32>
    %sub3A_500 = arith.subf %add3A_499, %min3A_498 : vector<1024x128xf32>
    %mul3A_501 = arith.mulf %min3A_498, %sub3A_500 : vector<1024x128xf32>
    %mul3A_502 = arith.mulf %reshape3A_487, %mul3A_501 : vector<1024x128xf32>
    %reduce_sum3A_503 = arith.constant dense<0.000000e+00> : vector<128xf32>
    %reduce_sum3A_504 = vector.multi_reduction <add>, %mul3A_502, %reduce_sum3A_503 [0] : vector<1024x128xf32> to vector<128xf32>
    %add3A_505 = arith.addf %add3A_440, %reduce_sum3A_504 : vector<128xf32>
    %reduce_sum3A_506 = arith.constant dense<0.000000e+00> : vector<128xf32>
    %reduce_sum3A_507 = vector.multi_reduction <add>, %select_n3A_483, %reduce_sum3A_506 [0] : vector<256x128xf32> to vector<128xf32>
    %add3A_508 = arith.addf %add3A_443, %reduce_sum3A_507 : vector<128xf32>
    %ne3A_509 = arith.constant -1.000000e+00 : f32
    %ne3A_510 = vector.broadcast %ne3A_509 : f32 to vector<256x128xf32>
    %ne3A_511 = arith.cmpf one, %get3A_475, %ne3A_510 : vector<256x128xf32>
    %jit3A_512 = arith.constant 1.000000e+00 : f32
    %jit3A_513 = arith.constant 0.000000e+00 : f32
    %broadcast_in_dim3A_514 = vector.broadcast %jit3A_512 : f32 to vector<256x128xf32>
    %broadcast_in_dim3A_515 = vector.broadcast %jit3A_513 : f32 to vector<256x128xf32>
    %select_n3A_516 = arith.select %ne3A_511, %broadcast_in_dim3A_514, %broadcast_in_dim3A_515 : vector<256x128xi1>, vector<256x128xf32>
    %reduce_sum3A_517 = arith.constant dense<0.000000e+00> : vector<128xf32>
    %reduce_sum3A_518 = vector.multi_reduction <add>, %select_n3A_516, %reduce_sum3A_517 [0] : vector<256x128xf32> to vector<128xf32>
    %add3A_519 = arith.addf %add3A_454, %reduce_sum3A_518 : vector<128xf32>
    %dma_start3A_520 = arith.constant 17408 : i32
    %dma_start3A_521 = arith.constant 0 : i32
    %dma_start3A_522 = tpu.memref_slice %arg0[%dma_start3A_520, %dma_start3A_521] : memref<18432x128xf32, #tpu.memory_space<any>> -> memref<1024x128xf32, #tpu.memory_space<any>>
    tpu.enqueue_dma source(%dma_start3A_522 : memref<1024x128xf32, #tpu.memory_space<any>>) target(%arg7 : memref<1024x128xf32, #tpu.memory_space<vmem>>) target_semaphore(%arg11 : memref<!tpu.dma_semaphore, #tpu.memory_space<semaphore_mem>>)
    %dma_start3A_523 = arith.constant 17408 : i32
    %dma_start3A_524 = arith.constant 0 : i32
    %dma_start3A_525 = tpu.memref_slice %arg1[%dma_start3A_523, %dma_start3A_524] : memref<18432x128xf32, #tpu.memory_space<any>> -> memref<1024x128xf32, #tpu.memory_space<any>>
    tpu.enqueue_dma source(%dma_start3A_525 : memref<1024x128xf32, #tpu.memory_space<any>>) target(%arg8 : memref<1024x128xf32, #tpu.memory_space<vmem>>) target_semaphore(%arg11 : memref<!tpu.dma_semaphore, #tpu.memory_space<semaphore_mem>>)
    %dma_start3A_526 = arith.constant 4352 : i32
    %dma_start3A_527 = arith.constant 0 : i32
    %dma_start3A_528 = tpu.memref_slice %arg2[%dma_start3A_526, %dma_start3A_527] : memref<4608x128xf32, #tpu.memory_space<any>> -> memref<256x128xf32, #tpu.memory_space<any>>
    tpu.enqueue_dma source(%dma_start3A_528 : memref<256x128xf32, #tpu.memory_space<any>>) target(%arg9 : memref<256x128xf32, #tpu.memory_space<vmem>>) target_semaphore(%arg11 : memref<!tpu.dma_semaphore, #tpu.memory_space<semaphore_mem>>)
    %dma_wait3A_529 = arith.constant 16384 : i32
    %dma_wait3A_530 = arith.constant 0 : i32
    %dma_wait3A_531 = tpu.memref_slice %arg0[%dma_wait3A_529, %dma_wait3A_530] : memref<18432x128xf32, #tpu.memory_space<any>> -> memref<1024x128xf32, #tpu.memory_space<any>>
    tpu.wait_dma2 semaphore(%arg10 : memref<!tpu.dma_semaphore, #tpu.memory_space<semaphore_mem>>) src(%dma_wait3A_531 : memref<1024x128xf32, #tpu.memory_space<any>>) dst(%arg4 : memref<1024x128xf32, #tpu.memory_space<vmem>>)
    %dma_wait3A_532 = arith.constant 16384 : i32
    %dma_wait3A_533 = arith.constant 0 : i32
    %dma_wait3A_534 = tpu.memref_slice %arg1[%dma_wait3A_532, %dma_wait3A_533] : memref<18432x128xf32, #tpu.memory_space<any>> -> memref<1024x128xf32, #tpu.memory_space<any>>
    tpu.wait_dma2 semaphore(%arg10 : memref<!tpu.dma_semaphore, #tpu.memory_space<semaphore_mem>>) src(%dma_wait3A_534 : memref<1024x128xf32, #tpu.memory_space<any>>) dst(%arg5 : memref<1024x128xf32, #tpu.memory_space<vmem>>)
    %dma_wait3A_535 = arith.constant 4096 : i32
    %dma_wait3A_536 = arith.constant 0 : i32
    %dma_wait3A_537 = tpu.memref_slice %arg2[%dma_wait3A_535, %dma_wait3A_536] : memref<4608x128xf32, #tpu.memory_space<any>> -> memref<256x128xf32, #tpu.memory_space<any>>
    tpu.wait_dma2 semaphore(%arg10 : memref<!tpu.dma_semaphore, #tpu.memory_space<semaphore_mem>>) src(%dma_wait3A_537 : memref<256x128xf32, #tpu.memory_space<any>>) dst(%arg6 : memref<256x128xf32, #tpu.memory_space<vmem>>)
    %get3A_538 = arith.constant 0 : index
    %get3A_539 = arith.constant 0 : index
    %get3A_540 = vector.load %arg6[%get3A_538, %get3A_539] : memref<256x128xf32, #tpu.memory_space<vmem>>, vector<256x128xf32>
    %gt3A_541 = arith.constant 0.000000e+00 : f32
    %gt3A_542 = vector.broadcast %gt3A_541 : f32 to vector<256x128xf32>
    %gt3A_543 = arith.cmpf ogt, %get3A_540, %gt3A_542 : vector<256x128xf32>
    %jit3A_544 = arith.constant 1.000000e+00 : f32
    %jit3A_545 = arith.constant 0.000000e+00 : f32
    %broadcast_in_dim3A_546 = vector.broadcast %jit3A_544 : f32 to vector<256x128xf32>
    %broadcast_in_dim3A_547 = vector.broadcast %jit3A_545 : f32 to vector<256x128xf32>
    %select_n3A_548 = arith.select %gt3A_543, %broadcast_in_dim3A_546, %broadcast_in_dim3A_547 : vector<256x128xi1>, vector<256x128xf32>
    %broadcast_in_dim3A_549 = vector.shape_cast %select_n3A_548 : vector<256x128xf32> to vector<256x1x128xf32>
    %broadcast_in_dim3A_550 = vector.shape_cast %broadcast_in_dim3A_549 : vector<256x1x128xf32> to vector<256x1x128xf32>
    %broadcast_in_dim3A_551 = vector.broadcast %broadcast_in_dim3A_550 : vector<256x1x128xf32> to vector<256x4x128xf32>
    %reshape3A_552 = vector.shape_cast %broadcast_in_dim3A_551 : vector<256x4x128xf32> to vector<1024x128xf32>
    %get3A_553 = arith.constant 0 : index
    %get3A_554 = arith.constant 0 : index
    %get3A_555 = vector.load %arg4[%get3A_553, %get3A_554] : memref<1024x128xf32, #tpu.memory_space<vmem>>, vector<1024x128xf32>
    %get3A_556 = arith.constant 0 : index
    %get3A_557 = arith.constant 0 : index
    %get3A_558 = vector.load %arg5[%get3A_556, %get3A_557] : memref<1024x128xf32, #tpu.memory_space<vmem>>, vector<1024x128xf32>
    %sub3A_559 = arith.subf %get3A_555, %get3A_558 : vector<1024x128xf32>
    %abs3A_560 = math.absf %sub3A_559 : vector<1024x128xf32>
    %min3A_561 = arith.constant 1.000000e+00 : f32
    %min3A_562 = vector.broadcast %min3A_561 : f32 to vector<1024x128xf32>
    %min3A_563 = arith.minimumf %abs3A_560, %min3A_562 : vector<1024x128xf32>
    %add3A_564 = arith.addf %abs3A_560, %abs3A_560 : vector<1024x128xf32>
    %sub3A_565 = arith.subf %add3A_564, %min3A_563 : vector<1024x128xf32>
    %mul3A_566 = arith.mulf %min3A_563, %sub3A_565 : vector<1024x128xf32>
    %mul3A_567 = arith.mulf %reshape3A_552, %mul3A_566 : vector<1024x128xf32>
    %reduce_sum3A_568 = arith.constant dense<0.000000e+00> : vector<128xf32>
    %reduce_sum3A_569 = vector.multi_reduction <add>, %mul3A_567, %reduce_sum3A_568 [0] : vector<1024x128xf32> to vector<128xf32>
    %add3A_570 = arith.addf %add3A_505, %reduce_sum3A_569 : vector<128xf32>
    %reduce_sum3A_571 = arith.constant dense<0.000000e+00> : vector<128xf32>
    %reduce_sum3A_572 = vector.multi_reduction <add>, %select_n3A_548, %reduce_sum3A_571 [0] : vector<256x128xf32> to vector<128xf32>
    %add3A_573 = arith.addf %add3A_508, %reduce_sum3A_572 : vector<128xf32>
    %ne3A_574 = arith.constant -1.000000e+00 : f32
    %ne3A_575 = vector.broadcast %ne3A_574 : f32 to vector<256x128xf32>
    %ne3A_576 = arith.cmpf one, %get3A_540, %ne3A_575 : vector<256x128xf32>
    %jit3A_577 = arith.constant 1.000000e+00 : f32
    %jit3A_578 = arith.constant 0.000000e+00 : f32
    %broadcast_in_dim3A_579 = vector.broadcast %jit3A_577 : f32 to vector<256x128xf32>
    %broadcast_in_dim3A_580 = vector.broadcast %jit3A_578 : f32 to vector<256x128xf32>
    %select_n3A_581 = arith.select %ne3A_576, %broadcast_in_dim3A_579, %broadcast_in_dim3A_580 : vector<256x128xi1>, vector<256x128xf32>
    %reduce_sum3A_582 = arith.constant dense<0.000000e+00> : vector<128xf32>
    %reduce_sum3A_583 = vector.multi_reduction <add>, %select_n3A_581, %reduce_sum3A_582 [0] : vector<256x128xf32> to vector<128xf32>
    %add3A_584 = arith.addf %add3A_519, %reduce_sum3A_583 : vector<128xf32>
    %dma_wait3A_585 = arith.constant 17408 : i32
    %dma_wait3A_586 = arith.constant 0 : i32
    %dma_wait3A_587 = tpu.memref_slice %arg0[%dma_wait3A_585, %dma_wait3A_586] : memref<18432x128xf32, #tpu.memory_space<any>> -> memref<1024x128xf32, #tpu.memory_space<any>>
    tpu.wait_dma2 semaphore(%arg11 : memref<!tpu.dma_semaphore, #tpu.memory_space<semaphore_mem>>) src(%dma_wait3A_587 : memref<1024x128xf32, #tpu.memory_space<any>>) dst(%arg7 : memref<1024x128xf32, #tpu.memory_space<vmem>>)
    %dma_wait3A_588 = arith.constant 17408 : i32
    %dma_wait3A_589 = arith.constant 0 : i32
    %dma_wait3A_590 = tpu.memref_slice %arg1[%dma_wait3A_588, %dma_wait3A_589] : memref<18432x128xf32, #tpu.memory_space<any>> -> memref<1024x128xf32, #tpu.memory_space<any>>
    tpu.wait_dma2 semaphore(%arg11 : memref<!tpu.dma_semaphore, #tpu.memory_space<semaphore_mem>>) src(%dma_wait3A_590 : memref<1024x128xf32, #tpu.memory_space<any>>) dst(%arg8 : memref<1024x128xf32, #tpu.memory_space<vmem>>)
    %dma_wait3A_591 = arith.constant 4352 : i32
    %dma_wait3A_592 = arith.constant 0 : i32
    %dma_wait3A_593 = tpu.memref_slice %arg2[%dma_wait3A_591, %dma_wait3A_592] : memref<4608x128xf32, #tpu.memory_space<any>> -> memref<256x128xf32, #tpu.memory_space<any>>
    tpu.wait_dma2 semaphore(%arg11 : memref<!tpu.dma_semaphore, #tpu.memory_space<semaphore_mem>>) src(%dma_wait3A_593 : memref<256x128xf32, #tpu.memory_space<any>>) dst(%arg9 : memref<256x128xf32, #tpu.memory_space<vmem>>)
    %get3A_594 = arith.constant 0 : index
    %get3A_595 = arith.constant 0 : index
    %get3A_596 = vector.load %arg9[%get3A_594, %get3A_595] : memref<256x128xf32, #tpu.memory_space<vmem>>, vector<256x128xf32>
    %gt3A_597 = arith.constant 0.000000e+00 : f32
    %gt3A_598 = vector.broadcast %gt3A_597 : f32 to vector<256x128xf32>
    %gt3A_599 = arith.cmpf ogt, %get3A_596, %gt3A_598 : vector<256x128xf32>
    %jit3A_600 = arith.constant 1.000000e+00 : f32
    %jit3A_601 = arith.constant 0.000000e+00 : f32
    %broadcast_in_dim3A_602 = vector.broadcast %jit3A_600 : f32 to vector<256x128xf32>
    %broadcast_in_dim3A_603 = vector.broadcast %jit3A_601 : f32 to vector<256x128xf32>
    %select_n3A_604 = arith.select %gt3A_599, %broadcast_in_dim3A_602, %broadcast_in_dim3A_603 : vector<256x128xi1>, vector<256x128xf32>
    %broadcast_in_dim3A_605 = vector.shape_cast %select_n3A_604 : vector<256x128xf32> to vector<256x1x128xf32>
    %broadcast_in_dim3A_606 = vector.shape_cast %broadcast_in_dim3A_605 : vector<256x1x128xf32> to vector<256x1x128xf32>
    %broadcast_in_dim3A_607 = vector.broadcast %broadcast_in_dim3A_606 : vector<256x1x128xf32> to vector<256x4x128xf32>
    %reshape3A_608 = vector.shape_cast %broadcast_in_dim3A_607 : vector<256x4x128xf32> to vector<1024x128xf32>
    %get3A_609 = arith.constant 0 : index
    %get3A_610 = arith.constant 0 : index
    %get3A_611 = vector.load %arg7[%get3A_609, %get3A_610] : memref<1024x128xf32, #tpu.memory_space<vmem>>, vector<1024x128xf32>
    %get3A_612 = arith.constant 0 : index
    %get3A_613 = arith.constant 0 : index
    %get3A_614 = vector.load %arg8[%get3A_612, %get3A_613] : memref<1024x128xf32, #tpu.memory_space<vmem>>, vector<1024x128xf32>
    %sub3A_615 = arith.subf %get3A_611, %get3A_614 : vector<1024x128xf32>
    %abs3A_616 = math.absf %sub3A_615 : vector<1024x128xf32>
    %min3A_617 = arith.constant 1.000000e+00 : f32
    %min3A_618 = vector.broadcast %min3A_617 : f32 to vector<1024x128xf32>
    %min3A_619 = arith.minimumf %abs3A_616, %min3A_618 : vector<1024x128xf32>
    %add3A_620 = arith.addf %abs3A_616, %abs3A_616 : vector<1024x128xf32>
    %sub3A_621 = arith.subf %add3A_620, %min3A_619 : vector<1024x128xf32>
    %mul3A_622 = arith.mulf %min3A_619, %sub3A_621 : vector<1024x128xf32>
    %mul3A_623 = arith.mulf %reshape3A_608, %mul3A_622 : vector<1024x128xf32>
    %reduce_sum3A_624 = arith.constant dense<0.000000e+00> : vector<128xf32>
    %reduce_sum3A_625 = vector.multi_reduction <add>, %mul3A_623, %reduce_sum3A_624 [0] : vector<1024x128xf32> to vector<128xf32>
    %add3A_626 = arith.addf %add3A_570, %reduce_sum3A_625 : vector<128xf32>
    %reduce_sum3A_627 = arith.constant dense<0.000000e+00> : vector<128xf32>
    %reduce_sum3A_628 = vector.multi_reduction <add>, %select_n3A_604, %reduce_sum3A_627 [0] : vector<256x128xf32> to vector<128xf32>
    %add3A_629 = arith.addf %add3A_573, %reduce_sum3A_628 : vector<128xf32>
    %ne3A_630 = arith.constant -1.000000e+00 : f32
    %ne3A_631 = vector.broadcast %ne3A_630 : f32 to vector<256x128xf32>
    %ne3A_632 = arith.cmpf one, %get3A_596, %ne3A_631 : vector<256x128xf32>
    %jit3A_633 = arith.constant 1.000000e+00 : f32
    %jit3A_634 = arith.constant 0.000000e+00 : f32
    %broadcast_in_dim3A_635 = vector.broadcast %jit3A_633 : f32 to vector<256x128xf32>
    %broadcast_in_dim3A_636 = vector.broadcast %jit3A_634 : f32 to vector<256x128xf32>
    %select_n3A_637 = arith.select %ne3A_632, %broadcast_in_dim3A_635, %broadcast_in_dim3A_636 : vector<256x128xi1>, vector<256x128xf32>
    %reduce_sum3A_638 = arith.constant dense<0.000000e+00> : vector<128xf32>
    %reduce_sum3A_639 = vector.multi_reduction <add>, %select_n3A_637, %reduce_sum3A_638 [0] : vector<256x128xf32> to vector<128xf32>
    %add3A_640 = arith.addf %add3A_584, %reduce_sum3A_639 : vector<128xf32>
    %broadcast_in_dim3A_641 = arith.constant 0.000000e+00 : f32
    %broadcast_in_dim3A_642 = vector.broadcast %broadcast_in_dim3A_641 : f32 to vector<8x128xf32>
    %swap3A = arith.constant 0 : index
    %swap3A_643 = arith.constant 0 : index
    %swap3A_644 = vector.load %arg3[%swap3A, %swap3A_643] : memref<8x128xf32, #tpu.memory_space<vmem>>, vector<8x128xf32>
    tpu.vector_store %arg3[%swap3A, %swap3A_643], %broadcast_in_dim3A_642 {strides = array<i32>} : memref<8x128xf32, #tpu.memory_space<vmem>>, vector<8x128xf32>,
    %swap3A_645 = arith.constant 0 : index
    %swap3A_646 = arith.constant 0 : index
    %swap3A_647 = vector.load %arg3[%swap3A_645, %swap3A_646] : memref<8x128xf32, #tpu.memory_space<vmem>>, vector<1x128xf32>
    %swap3A_648 = vector.shape_cast %swap3A_647 : vector<1x128xf32> to vector<128xf32>
    %swap3A_649 = vector.shape_cast %add3A_626 : vector<128xf32> to vector<1x128xf32>
    tpu.vector_store %arg3[%swap3A_645, %swap3A_646], %swap3A_649 {strides = array<i32>} : memref<8x128xf32, #tpu.memory_space<vmem>>, vector<1x128xf32>,
    %swap3A_650 = arith.constant 1 : index
    %swap3A_651 = arith.constant 0 : index
    %swap3A_652 = vector.load %arg3[%swap3A_650, %swap3A_651] : memref<8x128xf32, #tpu.memory_space<vmem>>, vector<1x128xf32>
    %swap3A_653 = vector.shape_cast %swap3A_652 : vector<1x128xf32> to vector<128xf32>
    %swap3A_654 = vector.shape_cast %add3A_629 : vector<128xf32> to vector<1x128xf32>
    tpu.vector_store %arg3[%swap3A_650, %swap3A_651], %swap3A_654 {strides = array<i32>} : memref<8x128xf32, #tpu.memory_space<vmem>>, vector<1x128xf32>,
    %swap3A_655 = arith.constant 2 : index
    %swap3A_656 = arith.constant 0 : index
    %swap3A_657 = vector.load %arg3[%swap3A_655, %swap3A_656] : memref<8x128xf32, #tpu.memory_space<vmem>>, vector<1x128xf32>
    %swap3A_658 = vector.shape_cast %swap3A_657 : vector<1x128xf32> to vector<128xf32>
    %swap3A_659 = vector.shape_cast %add3A_640 : vector<128xf32> to vector<1x128xf32>
    tpu.vector_store %arg3[%swap3A_655, %swap3A_656], %swap3A_659 {strides = array<i32>} : memref<8x128xf32, #tpu.memory_space<vmem>>, vector<1x128xf32>,
    return
  }
}

</mosaic_0001>

<sc_bundles>
// kernel: _rpn_loss.4.cloned.1.call-start
scs
__scs_entry_jumppad:
0x0: {  	(pc) =	sbr.rel $0x88, $3  }
0x1: {  	(tag) =	ssettag $0x0;
	lr =	simm.s32 $0x1  }
0x2: {  	[smem:$0x3F9E] =	sst lr;
	_ =	strace $0xD0000000  }
0x3: {  	_ = 	snop  }
0x4: {  	_ = 	snop  }
0x5: {  	_ = 	snop  }
0x6: {  	_ = 	snop  }
0x7: {  	_ = 	snop  }
__scs_overlays_trampoline_lowered:
0x8: {  	[smem:$0x3FAD] =	sst s0  }
0x9: {  	[smem:$0x3FAE] =	sst s1  }
0xa: {  	[smem:$0x3FAF] =	sst s2  }
0xb: {  	[smem:$0x3FB0] =	sst s3  }
0xc: {  	[smem:$0x3FB1] =	sst s4  }
0xd: {  	[smem:$0x3FB2] =	sst s5  }
0xe: {  	[smem:$0x3FB3] =	sst s6  }
0xf: {  	[smem:$0x3FB4] =	sst s7  }
0x10: {  	[smem:$0x3FB5] =	sst s8  }
0x11: {  	[smem:$0x3FB6] =	sst s9;
	s0 =	simm.s32 @!p0 $0x0  }
0x12: {  	s1 =	sld [smem:$0x3F9C];
	s0 =	simm.s32 @p0 $0x1  }
0x13: {  	[smem:$0x3FB7] =	sst s0;
	s0 =	simm.s32 @!p1 $0x0  }
0x14: {  	s2 =	sld [smem:$0x3F9B];
	s0 =	simm.s32 @p1 $0x1  }
0x15: {  	[smem:$0x3FB8] =	sst s0;
	s0 =	simm.s32 @!p2 $0x0  }
0x16: {  	s3 =	sld [smem:$0x3FDB];
	s0 =	simm.s32 @p2 $0x1  }
0x17: {  	s4 =	simm.s32 $0x1BF5;
	[smem:$0x3FBA] =	sst s0  }
0x18: {  	s0 =	sld [smem:$0x3F9D];
	_ =	swait.ge [sflag:s4], $0x0  }
0x19: {  	s7 =	sld [smem:$0x3F9E]  }
0x1a: {  	s8 =	sadd.s32 $0xFFFFE003, lr  }
0x1b: {  	s9 =	sadd.s32 $0xFFFFFEF7, lr;
	s5 =	simm.s32 $0xFFFFFFFF;
	p2 =	slt.u32 s8, $0xFFFFF086  }
0x1c: {  	p1 =	slt.u32 s9, $0xF7A;
	s5 =	simm.s32 @!p2 $0x0  }
0x1d: {  	s5 =	simm.s32 @p1 $0x1;
	p0 =	seq.s32 s7, s2  }
0x1e: {  	s7 =	smul.u32 @!p0 $0xF7A, s2;
	p2 =	seq.s32 @!p0 s5, $0x0  }
0x1f: {  	s9 =	smul.u32 $0xF7A, s1;
	s8 =	simm.s32 @!p0 $0x1BF5;
	p2 =	por !p2, p0  }
0x20: {  	[sflag:s8] =	ssyncset.s32 @!p0 $0xFFFFF086;
	s6 =	sadd.s32 @!p0 s3, s7;
	s7 =	simm.s32 @!p0 $0x108  }
0x21: {  	s3 =	sadd.s32 s3, s9;
	s6 =	sadd.s32 @!p0 $0x88, s6;
	s7 =	simm.s32 @p2 $0x1082  }
0x22: {  	[simem:s7], [sflag:s8] =	dma.local @!p0 [hbm:s6], $0xF7A  }
0x23: {  	s9 =	sor.u32 $0xD0000000, s2;
	s6 =	simm.s32 $0x108;
	_ =	swait.ge @!p0 [sflag:s8], $0x0  }
0x24: {  	s3 =	sadd.s32 $0x88, s3;
	s6 =	simm.s32 @!p1 $0x1082;
	[sflag:s4] =	ssyncset.s32 $0xFFFFF086  }
0x25: {  	[simem:s6], [sflag:s4] =	dma.local [hbm:s3], $0xF7A  }
0x26: {  	[smem:$0x3F9E] =	sst s1;
	(tag) =	ssettag s2;
	_ =	strace s9  }
0x27: {  	s1 =	sld [smem:$0x3FAE]  }
0x28: {  	s2 =	sld [smem:$0x3FAF]  }
0x29: {  	s4 =	sld [smem:$0x3FB1]  }
0x2a: {  	p0 =	seq.s32 s5, $0x0;
	s5 =	sld [smem:$0x3FB2]  }
0x2b: {  	s6 =	sld [smem:$0x3FB3]  }
0x2c: {  	s7 =	sld [smem:$0x3FB4]  }
0x2d: {  	s3 =	simm.s32 $0x108;
	s8 =	sld [smem:$0x3FB5]  }
0x2e: {  	s3 =	simm.s32 @!p0 $0x1082;
	s9 =	sld [smem:$0x3FB6]  }
0x2f: {  	lr =	sadd.s32 s0, s3;
	s0 =	sld [smem:$0x3FAD]  }
0x30: {  	s3 =	sld [smem:$0x3FB0]  }
0x31: {  	[smem:$0x3FB9] =	sst s10  }
0x32: {  	s10 =	sld [smem:$0x3FB7];
	_ =	sdelay $0x3  }
0x33: {  	p0 =	seq.s32 s10, $0x1;
	s10 =	sld [smem:$0x3FB9];
	_ =	sdelay $0x3  }
0x34: {  	[smem:$0x3FB9] =	sst s10  }
0x35: {  	s10 =	sld [smem:$0x3FB8];
	_ =	sdelay $0x3  }
0x36: {  	p1 =	seq.s32 s10, $0x1;
	s10 =	sld [smem:$0x3FB9];
	_ =	sdelay $0x3  }
0x37: {  	[smem:$0x3FB9] =	sst s10  }
0x38: {  	s10 =	sld [smem:$0x3FBA]  }
0x39: {  	_ = 	snop;
	(pc) =	sbr.ind lr, $3  }
0x3a: {  	_ = 	snop  }
0x3b: {  	_ = 	snop  }
0x3c: {  	p2 =	seq.s32 s10, $0x1;
	s10 =	sld [smem:$0x3FB9]  }
0x3d: {  	_ =	shalt  }
0x3e: {  	_ =	shalt  }
0x3f: {  	_ =	shalt  }
0x40: {  	_ =	shalt  }
0x41: {  	_ =	shalt  }
0x42: {  	_ =	shalt  }
0x43: {  	_ =	shalt  }
0x44: {  	_ =	shalt  }
0x45: {  	_ =	shalt  }
0x46: {  	_ =	shalt  }
0x47: {  	_ =	shalt  }
0x48: {  	_ =	shalt  }
0x49: {  	_ =	shalt  }
0x4a: {  	_ =	shalt  }
0x4b: {  	_ =	shalt  }
0x4c: {  	_ =	shalt  }
0x4d: {  	_ =	shalt  }
0x4e: {  	_ =	shalt  }
0x4f: {  	_ =	shalt  }
0x50: {  	_ =	shalt  }
0x51: {  	_ =	shalt  }
0x52: {  	_ =	shalt  }
0x53: {  	_ =	shalt  }
0x54: {  	_ =	shalt  }
0x55: {  	_ =	shalt  }
0x56: {  	_ =	shalt  }
0x57: {  	_ =	shalt  }
0x58: {  	_ =	shalt  }
0x59: {  	_ =	shalt  }
0x5a: {  	_ =	shalt  }
0x5b: {  	_ =	shalt  }
0x5c: {  	_ =	shalt  }
0x5d: {  	_ =	shalt  }
0x5e: {  	_ =	shalt  }
0x5f: {  	_ =	shalt  }
0x60: {  	_ =	shalt  }
0x61: {  	_ =	shalt  }
0x62: {  	_ =	shalt  }
0x63: {  	_ =	shalt  }
0x64: {  	_ =	shalt  }
0x65: {  	_ =	shalt  }
0x66: {  	_ =	shalt  }
0x67: {  	_ =	shalt  }
0x68: {  	_ =	shalt  }
0x69: {  	_ =	shalt  }
0x6a: {  	_ =	shalt  }
0x6b: {  	_ =	shalt  }
0x6c: {  	_ =	shalt  }
0x6d: {  	_ =	shalt  }
0x6e: {  	_ =	shalt  }
0x6f: {  	_ =	shalt  }
0x70: {  	_ =	shalt  }
0x71: {  	_ =	shalt  }
0x72: {  	_ =	shalt  }
0x73: {  	_ =	shalt  }
0x74: {  	_ =	shalt  }
0x75: {  	_ =	shalt  }
0x76: {  	_ =	shalt  }
0x77: {  	_ =	shalt  }
0x78: {  	_ =	shalt  }
0x79: {  	_ =	shalt  }
0x7a: {  	_ =	shalt  }
0x7b: {  	_ =	shalt  }
0x7c: {  	_ =	shalt  }
0x7d: {  	_ =	shalt  }
0x7e: {  	_ =	shalt  }
0x7f: {  	_ =	shalt  }
0x80: {  	_ =	shalt  }
0x81: {  	_ =	shalt  }
0x82: {  	_ =	shalt  }
0x83: {  	_ =	shalt  }
0x84: {  	_ =	shalt  }
0x85: {  	_ =	shalt  }
0x86: {  	_ =	shalt  }
0x87: {  	_ =	shalt  }
.Lfunc_end0:
.L_simem_size_0:
called_computation_lowered:
.L_overlay_start_0:
0x88: {  	s2 =	sld [smem:$0x3FD9]  }
0x89: {  	s3 =	sld [smem:$0x3FFE];
	_ =	sdelay $0x1  }
0x8a: {  	s1 =	srdreg.scid  }
0x8b: {  	s0 =	sand.u32 $0x1, s1  }
0x8c: {  	s17 =	sshll.u32 s0, $0xA;
	s2 =	sadd.s32 s3, s2  }
0x8d: {  	s2 =	sadd.s32 s2, s17  }
0x8e: {  	[smem:$0x3FC5] =	sst s2  }
0x8f: {  	_ = 	snop  }
0x90: {  	s2 =	sld [smem:$0x3FC9]  }
0x91: {  	s18 =	sld [smem:$0x3FC8]  }
0x92: {  	s4 =	sld [smem:$0x3FC7];
	(tm) =	ssettm $0x1  }
0x93: {  	s5 =	sld [smem:$0x3FFB];
	_ =	sdelay $0x3  }
0x94: {  	_ =	strace s5  }
0x95: {  	s5 =	sld [smem:$0x3FFC];
	_ =	sdelay $0x3  }
0x96: {  	_ =	strace s5  }
0x97: {  	s5 =	sld [smem:$0x3FFD];
	_ =	sdelay $0x3  }
0x98: {  	_ =	strace s5  }
0x99: {  	_ =	strace $0x8FFFFFFF  }
0x9a: {  	s19 =	sld [smem:$0x3FDB];
	_ =	sdelay $0x1  }
0x9b: {  	s6 =	simm.s32 $_scs_section_size  }
0x9c: {  	s7 =	simm.s32 $_size__tile_overlayer_lowered;
	s8 =	simm.s32 $_tile_overlayer_lowered  }
0x9d: {  	s22 =	simm.s32 $0x1BFF;
	s21 =	sshll.u32 s8, $0x1;
	s5 =	sadd.s32 s6, s19  }
0x9e: {  	s9 =	simm.s32 $0x0;
	s20 =	sshll.u32 s7, $0x1;
	s7 =	sadd.s32 s21, s5  }
0x9f: {  	[timem:s9], [sflag:s22] =	dma.local [hbm:s7], s20  }
0xa0: {  	_ =	swait.ge [sflag:s22], s20  }
0xa1: {  	s6 =	ssub.s32 $0x0, s20;
	[sflag:s22] =	ssyncset.done $0x0  }
0xa2: {  	[sflag:s22] =	ssyncadd.s32 s6;
	_ =	sdelay $0x1  }
0xa3: {  	s23 =	simm.s32 $0x1B8B  }
0xa4: {  	_ =	swait.ge [sflag:s23], $0x1  }
0xa5: {  	[sflag:s23] =	ssyncset.done $0x0  }
0xa6: {  	s25 =	simm.s32 $0x1B8E;
	s24 =	sld [smem:$0x3FFE];
	[sflag:s23] =	ssyncadd.s32 $0xFFFFFFFF  }
0xa7: {  	s26 =	simm.s32 $execute0_lowered;
	[smem:$0x3FD2] =	sst s25  }
0xa8: {  	s7 =	sshll.u32 s26, $0x1;
	_ =	strace $0x80000046;
	[dreg:$0x1] =	wrdreg $0xFFFFFFFF  }
0xa9: {  	s28 =	simm.s32 $_size_execute0_lowered;
	s5 =	sadd.s32 s5, s7;
	[dreg:$0x0] =	wrdreg $0x0  }
0xaa: {  	s7 =	sshll.u32 s28, $0x1;
	[dreg:$0x2] =	wrdreg s5  }
0xab: {  	[dreg:$0x3] =	wrdreg s7  }
0xac: {  	[dreg:$0x4] =	wrdreg $0xC0  }
0xad: {  	_ =	task [dreg:s9], $0x5FFFF  }
0xae: {  	[dreg:$0x1] =	wrdreg $0xFFFFFFFF  }
0xaf: {  	[dreg:$0x0] =	wrdreg $0x60  }
0xb0: {  	[dreg:$0x2] =	wrdreg s2  }
0xb1: {  	[dreg:$0x3] =	wrdreg s18  }
0xb2: {  	[dreg:$0x4] =	wrdreg s4  }
0xb3: {  	[dreg:$0x5] =	wrdreg s24  }
0xb4: {  	[dreg:$0x6] =	wrdreg $0x9  }
0xb5: {  	_ =	task.clear_ibuf [dreg:s9], $0x7FFFF;
	_ =	strace $0x90000046  }
0xb6: {  	s29 =	simm.s32 $0x9;
	_ =	strace $0x80000048  }
0xb7: {  	_ =	swait.ge [sflag:s29], $0x1  }
0xb8: {  	[sflag:s29] =	ssyncadd.s32 $0xFFFFFFFF  }
0xb9: {  	_ =	strace $0x90000048  }
0xba: {  	_ =	sfence  }
0xbb: {  	s30 =	sld [smem:$0x0];
	_ =	sdelay $0x2  }
0xbc: {  	s31 =	sshll.u32 s1, $0xD;
	s1 =	sshrl.u32 s1, $0x2  }
0xbd: {  	s3 =	sand.u32 $0x4000, s31;
	s1 =	sadd.s32 s1, s30  }
0xbe: {  	s0 =	sor.u32 s3, s0;
	s1 =	sshll.u32 s1, $0x11  }
0xbf: {  	s0 =	sor.u32 s1, s0  }
0xc0: {  	s0 =	sadd.s32 $0x8F2B, s0  }
0xc1: {  	[sflag:s0] =	ssyncadd.remote.s32 $0x1  }
0xc2: {  	_ =	sfence.sel $0xFFFF  }
0xc3: {  	[dreg:$0x0] =	wrdreg $0xFFFFFFFF;
	(pc) =	sbr.abs _section_cstart, $3  }
0xc4: {  	[dreg:$0x1] =	wrdreg $0xFFFFFFFF  }
0xc5: {  	_ =	task.clear_ibuf [dreg:s9], $0x2FFFF;
	_ =	strace $0x9FFFFFFF  }
0xc6: {  	(tm) =	ssettm $0x7FFFFFFF  }
0xc7: {  	_ =	shalt  }
tec
execute0_lowered:
.L_overlay_start_1:
0x0: {  	(tag) =	ssettag $0x1  }
0x1: {  	s12 =	rddreg [dreg:$0x0]  }
0x2: {  	s13 =	rddreg [dreg:$0x1]  }
0x3: {  	s14 =	rddreg [dreg:$0x2]  }
0x4: {  	s15 =	rddreg [dreg:$0x3]  }
0x5: {  	s2 =	simm.s32 $0x0;
	s3 =	srdreg.scid;
	s0 =	stileid.u32  }
0x6: {  	s20 =	simm.s32 $0x6800;
	s21 =	simm.s32 $0x8800;
	s22 =	simm.s32 $0x1  }
0x7: {  	s23 =	simm.s32 $0x2;
	s24 =	simm.s32 $0x9000;
	s25 =	simm.s32 $0x3  }
0x8: {  	s26 =	simm.s32 $0x0;
	s3 =	sand.u32 $0x1, s3;
	s4 =	sshll.u32 s0, $0x1  }
0x9: {  	[smem:$0x7FF] =	sst s2;
	s5 =	ssub.s32 $0x2, s3;
	s16 =	sor.u32 s3, s4  }
0xa: {  	_ =	strace $0x80000047;
	s29 =	sshrl.u32 s5, $0x1;
	s10 =	sshll.u32 s16, $0xD  }
0xb: {  	s4 =	sshll.u32 s16, $0xC;
	s30 =	sshll.u32 s16, $0xA;
	s16 =	sshll.u32 s16, $0x4  }
0xc: {  	s17 =	ssub.s32 s5, s29;
	s3 =	sadd.s32 s12, s4;
	s8 =	sor.u32 $0x800, s10  }
0xd: {  	s4 =	sadd.s32 s13, s4;
	s5 =	sadd.s32 s14, s30;
	s11 =	sor.u32 $0x1000, s10  }
0xe: {  	s19 =	sor.u32 $0x1800, s10;
	s15 =	sadd.s32 s15, s16;
	s7 =	sshrl.u32 s8, $0x1  }
0xf: {  	s8 =	sshrl.u32 s8, $0x3;
	s18 =	sshrl.u32 s11, $0x1;
	s11 =	sshrl.u32 s11, $0x3  }
0x10: {  	s31 =	sshrl.u32 s19, $0x1;
	s19 =	sshrl.u32 s19, $0x3;
	s16 =	smax.u32 s17, $0x1  }
0x11: {  	s17 =	simm.s32 $0x2000;
	s6 =	sadd.s32 s12, s7;
	s7 =	sadd.s32 s13, s7  }
0x12: {  	s8 =	sadd.s32 s14, s8;
	s9 =	sadd.s32 s12, s18;
	s10 =	sadd.s32 s13, s18  }
0x13: {  	s11 =	sadd.s32 s14, s11;
	s12 =	sadd.s32 s12, s31;
	s13 =	sadd.s32 s13, s31  }
0x14: {  	v0 =	vimm.f32 $0.0e+00;
	s14 =	sadd.s32 s14, s19;
	s18 =	simm.s32 $0x4000;
	s19 =	simm.s32 $0x4800  }
.LBB2_1:
0x15: {  	[tilespmem:s2], [sflag:$0x1] =	stream.linear.gather [hbm4b:s3+s2], $0x2000, $0x38;
	[tilespmem:$0x9080] =	vst v63  }
0x16: {  	_ = 	snop  }
0x17: {  	[tilespmem:s17], [sflag:$0x1] =	stream.linear.gather [hbm4b:s4+s2], $0x2000, $0x38;
	[tilespmem:$0x9080] =	vst v63  }
0x18: {  	_ = 	snop  }
0x19: {  	[tilespmem:s18], [sflag:$0x1] =	stream.linear.gather [hbm4b:s5+s2], $0x800, $0x38;
	[tilespmem:$0x9080] =	vst v63  }
0x1a: {  	_ = 	snop  }
0x1b: {  	[tilespmem:s19], [sflag:$0x2] =	stream.linear.gather [hbm4b:s6+s2], $0x2000, $0x38;
	[tilespmem:$0x9080] =	vst v63  }
0x1c: {  	_ = 	snop  }
0x1d: {  	[tilespmem:s20], [sflag:$0x2] =	stream.linear.gather [hbm4b:s7+s2], $0x2000, $0x38;
	[tilespmem:$0x9080] =	vst v63  }
0x1e: {  	_ = 	snop  }
0x1f: {  	[tilespmem:s21], [sflag:$0x2] =	stream.linear.gather [hbm4b:s8+s2], $0x800, $0x38;
	[tilespmem:$0x9080] =	vst v63  }
0x20: {  	_ =	swait.ge [sflag:s22], $0x2000  }
0x21: {  	[sflag:s22] =	ssyncset.done $0x0  }
0x22: {  	[sflag:s22] =	ssyncadd.s32 $0xFFFFE000  }
0x23: {  	_ =	swait.ge [sflag:s22], $0x2000  }
0x24: {  	[sflag:s22] =	ssyncset.done $0x0  }
0x25: {  	[sflag:s22] =	ssyncadd.s32 $0xFFFFE000  }
0x26: {  	_ =	swait.ge [sflag:s22], $0x800  }
0x27: {  	s28 =	sand.u32 $0x1E00, s2;
	s29 =	sand.u32 $0x70, s2;
	[sflag:s22] =	ssyncset.done $0x0  }
0x28: {  	s28 =	sor.u32 s29, s28;
	[sflag:s22] =	ssyncadd.s32 $0xFFFFF800  }
0x29: {  	v1 =	vld [tilespmem:s28+$0x180]  }
0x2a: {  	v2 =	vld [tilespmem:s28+$0x2180]  }
0x2b: {  	v3 =	vld [tilespmem:s28+$0x0]  }
0x2c: {  	v4 =	vld [tilespmem:s28+$0x2000]  }
0x2d: {  	v5 =	vld [tilespmem:s28+$0x80]  }
0x2e: {  	v6 =	vld [tilespmem:s28+$0x2080]  }
0x2f: {  	v7 =	vld [tilespmem:s28+$0x100]  }
0x30: {  	s29 =	simm.s32 $0x10;
	v8 =	vld [tilespmem:s28+$0x2100];
	s28 =	simm.s32 $0x40  }
0x31: {  	s29 =	sand.u32 $0x70, s29;
	s28 =	sand.u32 $0x1E00, s28;
	v3 =	vsub.f32 v3, v4  }
0x32: {  	s28 =	sor.u32 s29, s28  }
0x33: {  	v10 =	vld [tilespmem:s28+$0x100];
	v4 =	vsub.f32 v5, v6;
	v3 =	vand.u32 $0x7FFFFFFF, v3  }
0x34: {  	v11 =	vld [tilespmem:s28+$0x0];
	v1 =	vsub.f32 v1, v2;
	v5 =	vadd.f32 v3, v3  }
0x35: {  	s30 =	simm.s32 $0x0;
	v12 =	vld [tilespmem:s28+$0x2000];
	v6 =	vsub.f32 v7, v8;
	v4 =	vand.u32 $0x7FFFFFFF, v4;
	v3 =	vmin.f32 v3, $1.000000000e+00  }
0x36: {  	v2 =	vld [tilespmem:s30+$0x4000];
	v9 =	vadd.f32 v4, v4;
	v5 =	vsub.f32 v5, v3  }
0x37: {  	v14 =	vld [tilespmem:s28+$0x80];
	v1 =	vand.u32 $0x7FFFFFFF, v1;
	v6 =	vand.u32 $0x7FFFFFFF, v6;
	v4 =	vmin.f32 v4, $1.000000000e+00  }
0x38: {  	v7 =	vld [tilespmem:s28+$0x180];
	v3 =	vmul.f32 v5, v3;
	v5 =	vsub.f32 v9, v4;
	v9 =	vadd.f32 v6, v6  }
0x39: {  	v8 =	vld [tilespmem:s28+$0x2180];
	v13 =	vadd.f32 v1, v1;
	v6 =	vmin.f32 v6, $1.000000000e+00  }
0x3a: {  	v3 =	vadd.f32 $0.0e+00, v3;
	v4 =	vmul.f32 v5, v4;
	v5 =	vsub.f32 v9, v6;
	v9 =	vld [tilespmem:s28+$0x2080]  }
0x3b: {  	v15 =	vld [tilespmem:s28+$0x2100];
	v1 =	vmin.f32 v1, $1.000000000e+00;
	vm0 =	vlt.f32 v2, $-1.000000000e+00;
	vm1 =	vgt.f32 v2, $-1.000000000e+00  }
0x3c: {  	v3 =	vadd.f32 v4, v3;
	v4 =	vmul.f32 v5, v6;
	v5 =	vsub.f32 v13, v1  }
0x3d: {  	vm15 =	vgt.f32 v2, $0.0e+00;
	vm0 =	vmor vm1, vm0;
	v6 =	vsub.f32 v11, v12  }
0x3e: {  	v3 =	vadd.f32 v4, v3;
	v1 =	vmul.f32 v5, v1;
	v4 =	vsub.f32 v7, v8  }
0x3f: {  	s29 =	simm.s32 $0x80;
	s28 =	simm.s32 $0x20;
	v5 =	vand.u32 $0x7FFFFFFF, v6;
	v7 =	vsel vm0, $0x3F800000, v0;
	v8 =	vsub.f32 v14, v9  }
0x40: {  	s0 =	simm.s32 $0x10;
	s30 =	sand.u32 $0x1E00, s29;
	s31 =	sand.u32 $0x70, s28;
	v6 =	vsel vm15, $0x3F800000, v0;
	v9 =	vsub.f32 v10, v15;
	v1 =	vadd.f32 v1, v3  }
0x41: {  	v2 =	vld [tilespmem:s0+$0x4000];
	s31 =	sor.u32 s31, s30;
	v11 =	vmin.f32 v5, $1.000000000e+00;
	v3 =	vadd.f32 v5, v5;
	v10 =	vand.u32 $0x7FFFFFFF, v4  }
0x42: {  	v5 =	vld [tilespmem:s31+$0x180];
	v4 =	vimm.f32 $0.0e+00;
	v12 =	vand.u32 $0x7FFFFFFF, v8;
	v1 =	vmul.f32 v1, v6  }
0x43: {  	v8 =	vld [tilespmem:s31+$0x2180];
	v14 =	vand.u32 $0x7FFFFFFF, v9;
	v13 =	vsub.f32 v3, v11;
	v15 =	vadd.f32 v12, v12  }
0x44: {  	s30 =	simm.s32 $0xC0;
	v9 =	vimm.f32 $0.0e+00;
	v12 =	vmin.f32 v12, $1.000000000e+00;
	v3 =	vld [tilespmem:s31+$0x100];
	v1 =	vadd.f32 v1, v0  }
.LBB2_2:
0x45: {  	p0 =	sne.s32 s30, $0x1FC0;
	v16 =	vld [tilespmem:s31+$0x0];
	v11 =	vmul.f32 v13, v11;
	v13 =	vsub.f32 v15, v12;
	v15 =	vadd.f32 v14, v14  }
0x46: {  	v14 =	vmin.f32 v14, $1.000000000e+00;
	v18 =	vadd.f32 v10, v10;
	v17 =	vld [tilespmem:s31+$0x2000];
	vm0 =	vlt.f32 v2, $-1.000000000e+00  }
0x47: {  	v19 =	vld [tilespmem:s31+$0x80];
	v11 =	vadd.f32 $0.0e+00, v11;
	v12 =	vmul.f32 v13, v12;
	v13 =	vsub.f32 v15, v14  }
0x48: {  	v10 =	vmin.f32 v10, $1.000000000e+00;
	v9 =	vadd.f32 v7, v9;
	vm1 =	vgt.f32 v2, $-1.000000000e+00;
	v15 =	vld [tilespmem:s31+$0x2080]  }
0x49: {  	v20 =	vld [tilespmem:s31+$0x2100];
	v7 =	vadd.f32 v12, v11;
	v11 =	vmul.f32 v13, v14;
	v12 =	vsub.f32 v18, v10  }
0x4a: {  	v4 =	vadd.f32 v6, v4;
	vm0 =	vmor vm1, vm0  }
0x4b: {  	v6 =	vsub.f32 v16, v17;
	v11 =	vadd.f32 v11, v7;
	v10 =	vmul.f32 v12, v10  }
0x4c: {  	s28 =	sadd.s32 $0x10, s28;
	s0 =	sand.u32 $0x1E00, s30;
	vm1 =	vgt.f32 v2, $0.0e+00;
	v12 =	vsub.f32 v5, v8;
	v7 =	vsel vm0, $0x3F800000, v0  }
.Ltmp0:
0x4d: {  	s29 =	sshra.s32 s29, $0x2;
	s31 =	sand.u32 $0x70, s28;
	v8 =	vand.u32 $0x7FFFFFFF, v6;
	v13 =	vsub.f32 v19, v15;
	v10 =	vadd.f32 v10, v11;
	(pc) =	sbr.rel @p0 .LBB2_2-.Ltmp0, $4  }
0x4e: {  	s31 =	sor.u32 s31, s0;
	v6 =	vsel vm1, $0x3F800000, v0;
	v2 =	vld [tilespmem:s29+$0x4000];
	v14 =	vadd.f32 v8, v8;
	v16 =	vsub.f32 v3, v20;
	s29 =	smov.u32 s30  }
0x4f: {  	v11 =	vmin.f32 v8, $1.000000000e+00;
	v5 =	vld [tilespmem:s31+$0x180];
	v17 =	vand.u32 $0x7FFFFFFF, v13;
	v18 =	vmul.f32 v10, v6  }
0x50: {  	v10 =	vand.u32 $0x7FFFFFFF, v12;
	v8 =	vld [tilespmem:s31+$0x2180];
	v13 =	vsub.f32 v14, v11;
	v15 =	vadd.f32 v17, v17  }
0x51: {  	s30 =	sadd.s32 $0x40, s30;
	v12 =	vmin.f32 v17, $1.000000000e+00;
	v14 =	vand.u32 $0x7FFFFFFF, v16;
	v3 =	vld [tilespmem:s31+$0x100];
	v1 =	vadd.f32 v18, v1  }
0x52: {  	v16 =	vld [tilespmem:s31+$0x0]  }
0x53: {  	v17 =	vld [tilespmem:s31+$0x2000]  }
0x54: {  	v18 =	vld [tilespmem:s31+$0x80]  }
0x55: {  	v19 =	vld [tilespmem:s31+$0x2080]  }
0x56: {  	v20 =	vld [tilespmem:s31+$0x2100];
	s0 =	sshra.s32 s29, $0x2;
	s1 =	simm.s32 $0x0  }
0x57: {  	v21 =	vld [tilespmem:s0+$0x4000];
	[tilespmem:s1], [sflag:$0x1] =	stream.linear.gather [hbm4b:s9+s1], $0x2000, $0x38  }
0x58: {  	_ = 	snop  }
0x59: {  	[tilespmem:s17], [sflag:$0x1] =	stream.linear.gather [hbm4b:s10+s1], $0x2000, $0x38;
	[tilespmem:$0x9080] =	vst v63  }
0x5a: {  	_ = 	snop  }
0x5b: {  	v15 =	vsub.f32 v15, v12;
	v11 =	vmul.f32 v13, v11;
	v13 =	vadd.f32 v14, v14;
	[tilespmem:s18], [sflag:$0x1] =	stream.linear.gather [hbm4b:s11+s1], $0x800, $0x38;
	[tilespmem:$0x9080] =	vst v63  }
0x5c: {  	v14 =	vmin.f32 v14, $1.000000000e+00;
	v7 =	vadd.f32 v7, v9;
	v9 =	vadd.f32 v10, v10;
	_ =	swait.ge [sflag:s23], $0x2000  }
0x5d: {  	v10 =	vmin.f32 v10, $1.000000000e+00;
	v4 =	vadd.f32 v6, v4;
	vm0 =	vlt.f32 v2, $-1.000000000e+00;
	[sflag:s23] =	ssyncset.done $0x0  }
0x5e: {  	vm1 =	vgt.f32 v2, $-1.000000000e+00;
	vm9 =	vgt.f32 v2, $0.0e+00;
	v11 =	vadd.f32 $0.0e+00, v11;
	[sflag:s23] =	ssyncadd.s32 $0xFFFFE000  }
0x5f: {  	v12 =	vmul.f32 v15, v12;
	v13 =	vsub.f32 v13, v14;
	v9 =	vsub.f32 v9, v10;
	_ =	swait.ge [sflag:s23], $0x2000  }
0x60: {  	vm0 =	vmor vm1, vm0;
	v5 =	vsub.f32 v5, v8;
	v6 =	vsub.f32 v16, v17;
	[sflag:s23] =	ssyncset.done $0x0  }
0x61: {  	v8 =	vsel vm0, $0x3F800000, v0;
	v11 =	vadd.f32 v12, v11;
	v12 =	vmul.f32 v13, v14;
	[sflag:s23] =	ssyncadd.s32 $0xFFFFE000  }
0x62: {  	v7 =	vadd.f32 v8, v7;
	v2 =	vand.u32 $0x7FFFFFFF, v6;
	v6 =	vsub.f32 v18, v19;
	_ =	swait.ge [sflag:s23], $0x800  }
0x63: {  	s28 =	sand.u32 $0x1E00, s1;
	s0 =	sand.u32 $0x70, s1;
	v9 =	vmul.f32 v9, v10;
	v3 =	vsub.f32 v3, v20;
	v10 =	vadd.f32 v2, v2;
	[sflag:s23] =	ssyncset.done $0x0  }
0x64: {  	s0 =	sor.u32 s0, s28;
	v11 =	vadd.f32 v12, v11;
	v2 =	vmin.f32 v2, $1.000000000e+00;
	v6 =	vand.u32 $0x7FFFFFFF, v6;
	[sflag:s23] =	ssyncadd.s32 $0xFFFFF800  }
0x65: {  	v5 =	vand.u32 $0x7FFFFFFF, v5;
	v10 =	vsub.f32 v10, v2;
	v12 =	vadd.f32 v6, v6;
	v13 =	vld [tilespmem:s0+$0x4980]  }
0x66: {  	v16 =	vadd.f32 v5, v5;
	v3 =	vand.u32 $0x7FFFFFFF, v3;
	v6 =	vmin.f32 v6, $1.000000000e+00;
	v14 =	vld [tilespmem:s0+$0x6980]  }
0x67: {  	v2 =	vmul.f32 v10, v2;
	v10 =	vsub.f32 v12, v6;
	v12 =	vadd.f32 v3, v3;
	v15 =	vld [tilespmem:s0+$0x4800]  }
0x68: {  	vm10 =	vlt.f32 v21, $-1.000000000e+00;
	vm11 =	vgt.f32 v21, $-1.000000000e+00;
	v3 =	vmin.f32 v3, $1.000000000e+00;
	v17 =	vld [tilespmem:s0+$0x6800]  }
0x69: {  	v2 =	vadd.f32 $0.0e+00, v2;
	v6 =	vmul.f32 v10, v6;
	v10 =	vsub.f32 v12, v3;
	v12 =	vld [tilespmem:s0+$0x4880]  }
0x6a: {  	v5 =	vmin.f32 v5, $1.000000000e+00;
	v9 =	vadd.f32 v9, v11;
	v11 =	vsel vm9, $0x3F800000, v0;
	v60 =	vld [tilespmem:s0+$0x6880]  }
0x6b: {  	v8 =	vld [tilespmem:s0+$0x6900];
	v2 =	vadd.f32 v6, v2;
	v3 =	vmul.f32 v10, v3;
	v6 =	vsub.f32 v16, v5  }
0x6c: {  	vm12 =	vgt.f32 v21, $0.0e+00;
	vm0 =	vmor vm11, vm10;
	v9 =	vmul.f32 v9, v11;
	v10 =	vld [tilespmem:s0+$0x4900]  }
0x6d: {  	s28 =	simm.s32 $0x10;
	s1 =	simm.s32 $0x40;
	v2 =	vadd.f32 v3, v2;
	v3 =	vmul.f32 v6, v5;
	v5 =	vsub.f32 v15, v17  }
0x6e: {  	s28 =	sand.u32 $0x70, s28;
	v4 =	vadd.f32 v11, v4;
	v1 =	vadd.f32 v9, v1;
	v9 =	vsel vm12, $0x3F800000, v0;
	s0 =	sand.u32 $0x1E00, s1  }
0x6f: {  	s0 =	sor.u32 s28, s0;
	v2 =	vadd.f32 v3, v2;
	v3 =	vand.u32 $0x7FFFFFFF, v5;
	v5 =	vsub.f32 v12, v60  }
0x70: {  	v6 =	vsel vm0, $0x3F800000, v0;
	v11 =	vsub.f32 v13, v14;
	v14 =	vld [tilespmem:s0+$0x6980];
	v13 =	vadd.f32 v3, v3  }
0x71: {  	s29 =	simm.s32 $0x0;
	v8 =	vsub.f32 v10, v8;
	v10 =	vld [tilespmem:s0+$0x4980];
	v3 =	vmin.f32 v3, $1.000000000e+00;
	v5 =	vand.u32 $0x7FFFFFFF, v5  }
0x72: {  	v12 =	vld [tilespmem:s29+$0x8800];
	v2 =	vmul.f32 v2, v9;
	v13 =	vsub.f32 v13, v3;
	v15 =	vadd.f32 v5, v5  }
0x73: {  	v16 =	vld [tilespmem:s0+$0x4900];
	v11 =	vand.u32 $0x7FFFFFFF, v11;
	v8 =	vand.u32 $0x7FFFFFFF, v8;
	v5 =	vmin.f32 v5, $1.000000000e+00  }
0x74: {  	v61 =	vld [tilespmem:s0+$0x6800];
	v3 =	vmul.f32 v13, v3;
	v13 =	vsub.f32 v15, v5;
	v15 =	vadd.f32 v8, v8  }
0x75: {  	v17 =	vld [tilespmem:s0+$0x4800];
	v1 =	vadd.f32 v2, v1;
	v2 =	vmin.f32 v8, $1.000000000e+00;
	v8 =	vadd.f32 v11, v11  }
0x76: {  	v62 =	vld [tilespmem:s0+$0x4880];
	v3 =	vadd.f32 $0.0e+00, v3;
	v5 =	vmul.f32 v13, v5;
	v13 =	vsub.f32 v15, v2  }
0x77: {  	v10 =	vsub.f32 v10, v14;
	vm13 =	vlt.f32 v12, $-1.000000000e+00;
	v11 =	vmin.f32 v11, $1.000000000e+00;
	v15 =	vld [tilespmem:s0+$0x6880]  }
0x78: {  	v63 =	vld [tilespmem:s0+$0x6900];
	v8 =	vsub.f32 v8, v11;
	v5 =	vadd.f32 v5, v3;
	v13 =	vmul.f32 v13, v2  }
0x79: {  	vm14 =	vgt.f32 v12, $-1.000000000e+00;
	v3 =	vadd.f32 v6, v7;
	v2 =	vadd.f32 v9, v4  }
0x7a: {  	v4 =	vsub.f32 v17, v61;
	v6 =	vmul.f32 v8, v11;
	v5 =	vadd.f32 v13, v5  }
0x7b: {  	s28 =	simm.s32 $0x20;
	s29 =	simm.s32 $0x80;
	vm15 =	vgt.f32 v12, $0.0e+00;
	vm0 =	vmor vm14, vm13;
	v10 =	vand.u32 $0x7FFFFFFF, v10  }
0x7c: {  	s1 =	simm.s32 $0x10;
	s30 =	sand.u32 $0x70, s28;
	s0 =	sand.u32 $0x1E00, s29;
	v9 =	vand.u32 $0x7FFFFFFF, v4;
	v12 =	vsub.f32 v62, v15;
	v5 =	vadd.f32 v6, v5  }
0x7d: {  	s31 =	sor.u32 s30, s0;
	v8 =	vsel vm15, $0x3F800000, v0;
	v4 =	vld [tilespmem:s1+$0x8800];
	v13 =	vadd.f32 v9, v9;
	v15 =	vsub.f32 v16, v63  }
0x7e: {  	v11 =	vmin.f32 v9, $1.000000000e+00;
	v9 =	vld [tilespmem:s31+$0x6980];
	v12 =	vand.u32 $0x7FFFFFFF, v12;
	v16 =	vmul.f32 v5, v8  }
0x7f: {  	v7 =	vsel vm0, $0x3F800000, v0;
	v6 =	vld [tilespmem:s31+$0x4980];
	v13 =	vsub.f32 v13, v11;
	v14 =	vadd.f32 v12, v12  }
0x80: {  	s30 =	simm.s32 $0xC0;
	v15 =	vand.u32 $0x7FFFFFFF, v15;
	v5 =	vld [tilespmem:s31+$0x4900];
	v12 =	vmin.f32 v12, $1.000000000e+00;
	v1 =	vadd.f32 v16, v1  }
.LBB2_4:
0x81: {  	p0 =	sne.s32 s30, $0x1FC0;
	v16 =	vld [tilespmem:s31+$0x4800];
	v11 =	vmul.f32 v13, v11;
	v13 =	vsub.f32 v14, v12;
	v14 =	vadd.f32 v15, v15  }
0x82: {  	v15 =	vmin.f32 v15, $1.000000000e+00;
	v18 =	vadd.f32 v10, v10;
	v17 =	vld [tilespmem:s31+$0x6800];
	vm0 =	vlt.f32 v4, $-1.000000000e+00  }
0x83: {  	v19 =	vld [tilespmem:s31+$0x4880];
	v11 =	vadd.f32 $0.0e+00, v11;
	v12 =	vmul.f32 v13, v12;
	v13 =	vsub.f32 v14, v15  }
0x84: {  	v10 =	vmin.f32 v10, $1.000000000e+00;
	v3 =	vadd.f32 v7, v3;
	vm1 =	vgt.f32 v4, $-1.000000000e+00;
	v14 =	vld [tilespmem:s31+$0x6880]  }
0x85: {  	v20 =	vld [tilespmem:s31+$0x6900];
	v7 =	vadd.f32 v12, v11;
	v11 =	vmul.f32 v13, v15;
	v12 =	vsub.f32 v18, v10  }
0x86: {  	v2 =	vadd.f32 v8, v2;
	vm0 =	vmor vm1, vm0  }
0x87: {  	v8 =	vsub.f32 v16, v17;
	v11 =	vadd.f32 v11, v7;
	v10 =	vmul.f32 v12, v10  }
0x88: {  	s28 =	sadd.s32 $0x10, s28;
	s0 =	sand.u32 $0x1E00, s30;
	vm1 =	vgt.f32 v4, $0.0e+00;
	v12 =	vsub.f32 v6, v9;
	v7 =	vsel vm0, $0x3F800000, v0  }
.Ltmp1:
0x89: {  	s29 =	sshra.s32 s29, $0x2;
	s1 =	sand.u32 $0x70, s28;
	v9 =	vand.u32 $0x7FFFFFFF, v8;
	v13 =	vsub.f32 v19, v14;
	v10 =	vadd.f32 v10, v11;
	(pc) =	sbr.rel @p0 .LBB2_4-.Ltmp1, $4  }
0x8a: {  	s31 =	sor.u32 s1, s0;
	v8 =	vsel vm1, $0x3F800000, v0;
	v4 =	vld [tilespmem:s29+$0x8800];
	v14 =	vadd.f32 v9, v9;
	v15 =	vsub.f32 v5, v20;
	s29 =	smov.u32 s30  }
0x8b: {  	v11 =	vmin.f32 v9, $1.000000000e+00;
	v6 =	vld [tilespmem:s31+$0x4980];
	v16 =	vand.u32 $0x7FFFFFFF, v13;
	v17 =	vmul.f32 v10, v8  }
0x8c: {  	v10 =	vand.u32 $0x7FFFFFFF, v12;
	v9 =	vld [tilespmem:s31+$0x6980];
	v13 =	vsub.f32 v14, v11;
	v14 =	vadd.f32 v16, v16  }
0x8d: {  	s30 =	sadd.s32 $0x40, s30;
	v12 =	vmin.f32 v16, $1.000000000e+00;
	v15 =	vand.u32 $0x7FFFFFFF, v15;
	v5 =	vld [tilespmem:s31+$0x4900];
	v1 =	vadd.f32 v17, v1  }
0x8e: {  	v16 =	vld [tilespmem:s31+$0x4800]  }
0x8f: {  	v17 =	vld [tilespmem:s31+$0x6800]  }
0x90: {  	v18 =	vld [tilespmem:s31+$0x4880]  }
0x91: {  	v19 =	vld [tilespmem:s31+$0x6880];
	s0 =	sshra.s32 s29, $0x2  }
0x92: {  	v21 =	vld [tilespmem:s0+$0x8800];
	s0 =	simm.s32 $0x0  }
0x93: {  	v20 =	vld [tilespmem:s31+$0x6900];
	[tilespmem:s19], [sflag:$0x2] =	stream.linear.gather [hbm4b:s12+s0], $0x2000, $0x38  }
0x94: {  	_ = 	snop  }
0x95: {  	[tilespmem:s20], [sflag:$0x2] =	stream.linear.gather [hbm4b:s13+s0], $0x2000, $0x38;
	[tilespmem:$0x9080] =	vst v63  }
0x96: {  	_ = 	snop  }
0x97: {  	v14 =	vsub.f32 v14, v12;
	v11 =	vmul.f32 v13, v11;
	v13 =	vadd.f32 v15, v15;
	[tilespmem:s21], [sflag:$0x2] =	stream.linear.gather [hbm4b:s14+s0], $0x800, $0x38;
	[tilespmem:$0x9080] =	vst v63  }
0x98: {  	v3 =	vadd.f32 v7, v3;
	v7 =	vadd.f32 v10, v10;
	v10 =	vmin.f32 v10, $1.000000000e+00;
	_ =	swait.ge [sflag:s22], $0x2000  }
0x99: {  	v2 =	vadd.f32 v8, v2;
	vm0 =	vlt.f32 v4, $-1.000000000e+00;
	vm1 =	vgt.f32 v4, $-1.000000000e+00;
	[sflag:s22] =	ssyncset.done $0x0  }
0x9a: {  	v12 =	vmul.f32 v14, v12;
	v14 =	vmin.f32 v15, $1.000000000e+00;
	v11 =	vadd.f32 $0.0e+00, v11;
	[sflag:s22] =	ssyncadd.s32 $0xFFFFE000  }
0x9b: {  	v7 =	vsub.f32 v7, v10;
	vm0 =	vmor vm1, vm0;
	v13 =	vsub.f32 v13, v14;
	_ =	swait.ge [sflag:s22], $0x2000  }
0x9c: {  	v6 =	vsub.f32 v6, v9;
	v9 =	vsel vm0, $0x3F800000, v0;
	v8 =	vsub.f32 v16, v17;
	[sflag:s22] =	ssyncset.done $0x0  }
0x9d: {  	vm9 =	vgt.f32 v4, $0.0e+00;
	v11 =	vadd.f32 v12, v11;
	v3 =	vadd.f32 v9, v3;
	[sflag:s22] =	ssyncadd.s32 $0xFFFFE000  }
0x9e: {  	v12 =	vmul.f32 v13, v14;
	v4 =	vand.u32 $0x7FFFFFFF, v8;
	v8 =	vsub.f32 v18, v19;
	_ =	swait.ge [sflag:s22], $0x800  }
0x9f: {  	s1 =	sand.u32 $0x1E00, s0;
	v7 =	vmul.f32 v7, v10;
	v5 =	vsub.f32 v5, v20;
	s0 =	sand.u32 $0x70, s0;
	v10 =	vadd.f32 v4, v4;
	[sflag:s22] =	ssyncset.done $0x0  }
0xa0: {  	v11 =	vadd.f32 v12, v11;
	s0 =	sor.u32 s0, s1;
	v4 =	vmin.f32 v4, $1.000000000e+00;
	v8 =	vand.u32 $0x7FFFFFFF, v8;
	[sflag:s22] =	ssyncadd.s32 $0xFFFFF800  }
0xa1: {  	v6 =	vand.u32 $0x7FFFFFFF, v6;
	v10 =	vsub.f32 v10, v4;
	v12 =	vadd.f32 v8, v8;
	v13 =	vld [tilespmem:s0+$0x180]  }
0xa2: {  	v16 =	vadd.f32 v6, v6;
	v5 =	vand.u32 $0x7FFFFFFF, v5;
	v8 =	vmin.f32 v8, $1.000000000e+00;
	v14 =	vld [tilespmem:s0+$0x2180]  }
0xa3: {  	v4 =	vmul.f32 v10, v4;
	v10 =	vsub.f32 v12, v8;
	v12 =	vadd.f32 v5, v5;
	v15 =	vld [tilespmem:s0+$0x0]  }
0xa4: {  	v7 =	vadd.f32 v7, v11;
	v11 =	vsel vm9, $0x3F800000, v0;
	v5 =	vmin.f32 v5, $1.000000000e+00;
	v17 =	vld [tilespmem:s0+$0x2000]  }
0xa5: {  	v4 =	vadd.f32 $0.0e+00, v4;
	v8 =	vmul.f32 v10, v8;
	v10 =	vsub.f32 v12, v5;
	v12 =	vld [tilespmem:s0+$0x80]  }
0xa6: {  	vm10 =	vlt.f32 v21, $-1.000000000e+00;
	v6 =	vmin.f32 v6, $1.000000000e+00;
	v7 =	vmul.f32 v7, v11;
	v61 =	vld [tilespmem:s0+$0x2080]  }
0xa7: {  	v4 =	vadd.f32 v8, v4;
	v5 =	vmul.f32 v10, v5;
	v8 =	vsub.f32 v16, v6;
	v10 =	vld [tilespmem:s0+$0x100]  }
0xa8: {  	vm11 =	vgt.f32 v21, $-1.000000000e+00;
	vm12 =	vgt.f32 v21, $0.0e+00;
	v1 =	vadd.f32 v7, v1;
	v7 =	vld [tilespmem:s0+$0x2100]  }
0xa9: {  	v4 =	vadd.f32 v5, v4;
	v5 =	vmul.f32 v8, v6;
	v6 =	vsub.f32 v15, v17  }
0xaa: {  	vm0 =	vmor vm11, vm10;
	s1 =	simm.s32 $0x10;
	v9 =	vsel vm12, $0x3F800000, v0;
	v2 =	vadd.f32 v11, v2;
	s0 =	simm.s32 $0x40  }
0xab: {  	s1 =	sand.u32 $0x70, s1;
	s0 =	sand.u32 $0x1E00, s0;
	v4 =	vadd.f32 v5, v4;
	v5 =	vand.u32 $0x7FFFFFFF, v6;
	v6 =	vsub.f32 v12, v61  }
0xac: {  	v8 =	vsel vm0, $0x3F800000, v0;
	s0 =	sor.u32 s1, s0;
	v11 =	vsub.f32 v13, v14;
	v13 =	vadd.f32 v5, v5  }
0xad: {  	v7 =	vsub.f32 v10, v7;
	v10 =	vld [tilespmem:s0+$0x180];
	v5 =	vmin.f32 v5, $1.000000000e+00;
	v6 =	vand.u32 $0x7FFFFFFF, v6  }
0xae: {  	v14 =	vld [tilespmem:s0+$0x2180];
	v4 =	vmul.f32 v4, v9;
	v13 =	vsub.f32 v13, v5;
	v15 =	vadd.f32 v6, v6  }
0xaf: {  	s28 =	simm.s32 $0x0;
	v17 =	vld [tilespmem:s0+$0x0];
	v11 =	vand.u32 $0x7FFFFFFF, v11;
	v7 =	vand.u32 $0x7FFFFFFF, v7;
	v6 =	vmin.f32 v6, $1.000000000e+00  }
0xb0: {  	v12 =	vld [tilespmem:s28+$0x4000];
	v5 =	vmul.f32 v13, v5;
	v13 =	vsub.f32 v15, v6;
	v15 =	vadd.f32 v7, v7  }
0xb1: {  	v1 =	vadd.f32 v4, v1;
	v4 =	vld [tilespmem:s0+$0x2000];
	v62 =	vadd.f32 v11, v11;
	v7 =	vmin.f32 v7, $1.000000000e+00  }
0xb2: {  	v63 =	vld [tilespmem:s0+$0x80];
	v5 =	vadd.f32 $0.0e+00, v5;
	v6 =	vmul.f32 v13, v6;
	v13 =	vsub.f32 v15, v7  }
0xb3: {  	v2 =	vadd.f32 v9, v2;
	v3 =	vadd.f32 v8, v3;
	v11 =	vmin.f32 v11, $1.000000000e+00;
	v15 =	vld [tilespmem:s0+$0x2080]  }
0xb4: {  	v16 =	vld [tilespmem:s0+$0x100];
	v5 =	vadd.f32 v6, v5;
	v7 =	vmul.f32 v13, v7;
	v13 =	vsub.f32 v62, v11  }
0xb5: {  	v10 =	vsub.f32 v10, v14;
	vm13 =	vlt.f32 v12, $-1.000000000e+00;
	vm14 =	vgt.f32 v12, $-1.000000000e+00;
	v6 =	vld [tilespmem:s0+$0x2100]  }
0xb6: {  	v4 =	vsub.f32 v17, v4;
	v5 =	vadd.f32 v7, v5;
	v8 =	vmul.f32 v13, v11  }
0xb7: {  	s29 =	simm.s32 $0x20;
	s28 =	simm.s32 $0x80;
	vm15 =	vgt.f32 v12, $0.0e+00;
	v10 =	vand.u32 $0x7FFFFFFF, v10;
	vm0 =	vmor vm14, vm13  }
0xb8: {  	s30 =	simm.s32 $0x10;
	s1 =	sand.u32 $0x70, s29;
	v9 =	vand.u32 $0x7FFFFFFF, v4;
	s0 =	sand.u32 $0x1E00, s28;
	v12 =	vsub.f32 v63, v15;
	v5 =	vadd.f32 v8, v5  }
0xb9: {  	v4 =	vld [tilespmem:s30+$0x4000];
	s31 =	sor.u32 s1, s0;
	v13 =	vadd.f32 v9, v9;
	v11 =	vmin.f32 v9, $1.000000000e+00;
	v8 =	vsel vm15, $0x3F800000, v0  }
0xba: {  	v9 =	vld [tilespmem:s31+$0x2180];
	v14 =	vsub.f32 v16, v6;
	v12 =	vand.u32 $0x7FFFFFFF, v12;
	v16 =	vmul.f32 v5, v8  }
0xbb: {  	v7 =	vsel vm0, $0x3F800000, v0;
	v13 =	vsub.f32 v13, v11;
	v6 =	vld [tilespmem:s31+$0x180];
	v15 =	vadd.f32 v12, v12  }
0xbc: {  	s30 =	simm.s32 $0xC0;
	v5 =	vld [tilespmem:s31+$0x100];
	v12 =	vmin.f32 v12, $1.000000000e+00;
	v14 =	vand.u32 $0x7FFFFFFF, v14;
	v1 =	vadd.f32 v16, v1  }
.LBB2_6:
0xbd: {  	p0 =	sne.s32 s30, $0x1FC0;
	v16 =	vld [tilespmem:s31+$0x0];
	v11 =	vmul.f32 v13, v11;
	v13 =	vsub.f32 v15, v12;
	v15 =	vadd.f32 v14, v14  }
0xbe: {  	v14 =	vmin.f32 v14, $1.000000000e+00;
	v18 =	vadd.f32 v10, v10;
	v17 =	vld [tilespmem:s31+$0x2000];
	vm0 =	vlt.f32 v4, $-1.000000000e+00  }
0xbf: {  	v19 =	vld [tilespmem:s31+$0x80];
	v11 =	vadd.f32 $0.0e+00, v11;
	v12 =	vmul.f32 v13, v12;
	v13 =	vsub.f32 v15, v14  }
0xc0: {  	v10 =	vmin.f32 v10, $1.000000000e+00;
	v3 =	vadd.f32 v7, v3;
	vm1 =	vgt.f32 v4, $-1.000000000e+00;
	v15 =	vld [tilespmem:s31+$0x2080]  }
0xc1: {  	v20 =	vld [tilespmem:s31+$0x2100];
	v7 =	vadd.f32 v12, v11;
	v11 =	vmul.f32 v13, v14;
	v12 =	vsub.f32 v18, v10  }
0xc2: {  	v2 =	vadd.f32 v8, v2;
	vm0 =	vmor vm1, vm0  }
0xc3: {  	v8 =	vsub.f32 v16, v17;
	v11 =	vadd.f32 v11, v7;
	v10 =	vmul.f32 v12, v10  }
0xc4: {  	s29 =	sadd.s32 $0x10, s29;
	s0 =	sand.u32 $0x1E00, s30;
	vm1 =	vgt.f32 v4, $0.0e+00;
	v12 =	vsub.f32 v6, v9;
	v7 =	vsel vm0, $0x3F800000, v0  }
.Ltmp2:
0xc5: {  	s28 =	sshra.s32 s28, $0x2;
	s1 =	sand.u32 $0x70, s29;
	v9 =	vand.u32 $0x7FFFFFFF, v8;
	v13 =	vsub.f32 v19, v15;
	v10 =	vadd.f32 v10, v11;
	(pc) =	sbr.rel @p0 .LBB2_6-.Ltmp2, $4  }
0xc6: {  	s31 =	sor.u32 s1, s0;
	v8 =	vsel vm1, $0x3F800000, v0;
	v4 =	vld [tilespmem:s28+$0x4000];
	v14 =	vadd.f32 v9, v9;
	v16 =	vsub.f32 v5, v20;
	s28 =	smov.u32 s30  }
0xc7: {  	v11 =	vmin.f32 v9, $1.000000000e+00;
	v6 =	vld [tilespmem:s31+$0x180];
	v17 =	vand.u32 $0x7FFFFFFF, v13;
	v18 =	vmul.f32 v10, v8  }
0xc8: {  	v10 =	vand.u32 $0x7FFFFFFF, v12;
	v9 =	vld [tilespmem:s31+$0x2180];
	v13 =	vsub.f32 v14, v11;
	v15 =	vadd.f32 v17, v17  }
0xc9: {  	s30 =	sadd.s32 $0x40, s30;
	v12 =	vmin.f32 v17, $1.000000000e+00;
	v14 =	vand.u32 $0x7FFFFFFF, v16;
	v5 =	vld [tilespmem:s31+$0x100];
	v1 =	vadd.f32 v18, v1  }
0xca: {  	v16 =	vld [tilespmem:s31+$0x0]  }
0xcb: {  	v17 =	vld [tilespmem:s31+$0x2000]  }
0xcc: {  	v18 =	vld [tilespmem:s31+$0x80]  }
0xcd: {  	v15 =	vsub.f32 v15, v12;
	v19 =	vld [tilespmem:s31+$0x2080]  }
0xce: {  	v11 =	vmul.f32 v13, v11;
	v13 =	vld [tilespmem:s31+$0x2100];
	s0 =	sshra.s32 s28, $0x2;
	v20 =	vadd.f32 v14, v14  }
0xcf: {  	v14 =	vmin.f32 v14, $1.000000000e+00;
	v3 =	vadd.f32 v7, v3;
	v12 =	vmul.f32 v15, v12;
	v15 =	vld [tilespmem:s0+$0x4000];
	_ =	swait.ge [sflag:s23], $0x2000  }
0xd0: {  	v7 =	vadd.f32 v10, v10;
	v10 =	vmin.f32 v10, $1.000000000e+00;
	v2 =	vadd.f32 v8, v2;
	[sflag:s23] =	ssyncset.done $0x0  }
0xd1: {  	vm0 =	vlt.f32 v4, $-1.000000000e+00;
	vm1 =	vgt.f32 v4, $-1.000000000e+00;
	v11 =	vadd.f32 $0.0e+00, v11;
	[sflag:s23] =	ssyncadd.s32 $0xFFFFE000  }
0xd2: {  	vm9 =	vgt.f32 v4, $0.0e+00;
	v20 =	vsub.f32 v20, v14;
	v7 =	vsub.f32 v7, v10;
	_ =	swait.ge [sflag:s23], $0x2000  }
0xd3: {  	vm0 =	vmor vm1, vm0;
	v6 =	vsub.f32 v6, v9;
	v8 =	vsub.f32 v16, v17;
	[sflag:s23] =	ssyncset.done $0x0  }
0xd4: {  	v9 =	vsel vm0, $0x3F800000, v0;
	v11 =	vadd.f32 v12, v11;
	v12 =	vmul.f32 v20, v14;
	[sflag:s23] =	ssyncadd.s32 $0xFFFFE000  }
0xd5: {  	s0 =	simm.s32 $0x0;
	v7 =	vmul.f32 v7, v10;
	v4 =	vand.u32 $0x7FFFFFFF, v8;
	v8 =	vsub.f32 v18, v19;
	_ =	swait.ge [sflag:s23], $0x800  }
0xd6: {  	s1 =	sand.u32 $0x1E00, s0;
	s0 =	sand.u32 $0x70, s0;
	v5 =	vsub.f32 v5, v13;
	v6 =	vand.u32 $0x7FFFFFFF, v6;
	v10 =	vadd.f32 v4, v4;
	[sflag:s23] =	ssyncset.done $0x0  }
0xd7: {  	s0 =	sor.u32 s0, s1;
	v11 =	vadd.f32 v12, v11;
	v4 =	vmin.f32 v4, $1.000000000e+00;
	v8 =	vand.u32 $0x7FFFFFFF, v8;
	[sflag:s23] =	ssyncadd.s32 $0xFFFFF800  }
0xd8: {  	v5 =	vand.u32 $0x7FFFFFFF, v5;
	v10 =	vsub.f32 v10, v4;
	v12 =	vadd.f32 v8, v8;
	v13 =	vld [tilespmem:s0+$0x4980]  }
0xd9: {  	v7 =	vadd.f32 v7, v11;
	v11 =	vsel vm9, $0x3F800000, v0;
	v8 =	vmin.f32 v8, $1.000000000e+00;
	v14 =	vld [tilespmem:s0+$0x6980]  }
0xda: {  	v16 =	vld [tilespmem:s0+$0x4800];
	v4 =	vmul.f32 v10, v4;
	v10 =	vsub.f32 v12, v8;
	v12 =	vadd.f32 v5, v5  }
0xdb: {  	v17 =	vadd.f32 v6, v6;
	v7 =	vmul.f32 v7, v11;
	v60 =	vld [tilespmem:s0+$0x6800];
	v5 =	vmin.f32 v5, $1.000000000e+00  }
0xdc: {  	v61 =	vld [tilespmem:s0+$0x6880];
	v4 =	vadd.f32 $0.0e+00, v4;
	v8 =	vmul.f32 v10, v8;
	v10 =	vsub.f32 v12, v5  }
0xdd: {  	v6 =	vmin.f32 v6, $1.000000000e+00;
	vm12 =	vgt.f32 v15, $0.0e+00;
	v1 =	vadd.f32 v7, v1;
	v12 =	vld [tilespmem:s0+$0x4880]  }
0xde: {  	v7 =	vld [tilespmem:s0+$0x6900];
	v4 =	vadd.f32 v8, v4;
	v5 =	vmul.f32 v10, v5;
	v8 =	vsub.f32 v17, v6  }
0xdf: {  	v3 =	vadd.f32 v9, v3;
	v9 =	vsel vm12, $0x3F800000, v0;
	v2 =	vadd.f32 v11, v2;
	v10 =	vld [tilespmem:s0+$0x4900]  }
0xe0: {  	s1 =	simm.s32 $0x10;
	s0 =	simm.s32 $0x40;
	v4 =	vadd.f32 v5, v4;
	v5 =	vmul.f32 v8, v6;
	v6 =	vsub.f32 v16, v60  }
0xe1: {  	s1 =	sand.u32 $0x70, s1;
	vm10 =	vlt.f32 v15, $-1.000000000e+00;
	vm11 =	vgt.f32 v15, $-1.000000000e+00;
	v2 =	vadd.f32 v9, v2;
	s0 =	sand.u32 $0x1E00, s0  }
0xe2: {  	s0 =	sor.u32 s1, s0;
	v4 =	vadd.f32 v5, v4;
	v5 =	vand.u32 $0x7FFFFFFF, v6;
	v6 =	vsub.f32 v12, v61  }
0xe3: {  	vm0 =	vmor vm11, vm10;
	v11 =	vsub.f32 v13, v14;
	v14 =	vld [tilespmem:s0+$0x6980];
	v13 =	vadd.f32 v5, v5  }
0xe4: {  	s28 =	simm.s32 $0x0;
	v16 =	vld [tilespmem:s0+$0x4900];
	v7 =	vsub.f32 v10, v7;
	v5 =	vmin.f32 v5, $1.000000000e+00;
	v6 =	vand.u32 $0x7FFFFFFF, v6  }
0xe5: {  	v11 =	vand.u32 $0x7FFFFFFF, v11;
	v12 =	vld [tilespmem:s28+$0x8800];
	v13 =	vsub.f32 v13, v5;
	v15 =	vadd.f32 v6, v6  }
0xe6: {  	v17 =	vld [tilespmem:s0+$0x4800];
	v4 =	vmul.f32 v4, v9;
	v6 =	vmin.f32 v6, $1.000000000e+00;
	v7 =	vand.u32 $0x7FFFFFFF, v7  }
0xe7: {  	v10 =	vld [tilespmem:s0+$0x4980];
	v5 =	vmul.f32 v13, v5;
	v13 =	vsub.f32 v15, v6;
	v15 =	vadd.f32 v7, v7  }
0xe8: {  	v62 =	vld [tilespmem:s0+$0x6800];
	v4 =	vadd.f32 v4, v1;
	v1 =	vmin.f32 v7, $1.000000000e+00;
	v7 =	vadd.f32 v11, v11  }
0xe9: {  	v63 =	vld [tilespmem:s0+$0x4880];
	v5 =	vadd.f32 $0.0e+00, v5;
	v6 =	vmul.f32 v13, v6;
	v13 =	vsub.f32 v15, v1  }
0xea: {  	v8 =	vsel vm0, $0x3F800000, v0;
	vm13 =	vlt.f32 v12, $-1.000000000e+00;
	v11 =	vmin.f32 v11, $1.000000000e+00;
	v15 =	vld [tilespmem:s0+$0x6880]  }
0xeb: {  	v7 =	vsub.f32 v7, v11;
	v5 =	vadd.f32 v6, v5;
	v6 =	vld [tilespmem:s0+$0x6900];
	v13 =	vmul.f32 v13, v1  }
0xec: {  	vm14 =	vgt.f32 v12, $-1.000000000e+00;
	v10 =	vsub.f32 v10, v14;
	v1 =	vadd.f32 v8, v3  }
0xed: {  	v8 =	vsub.f32 v17, v62;
	v7 =	vmul.f32 v7, v11;
	v5 =	vadd.f32 v13, v5  }
0xee: {  	s29 =	simm.s32 $0x20;
	s28 =	simm.s32 $0x80;
	vm15 =	vgt.f32 v12, $0.0e+00;
	vm0 =	vmor vm14, vm13;
	v10 =	vand.u32 $0x7FFFFFFF, v10  }
0xef: {  	s30 =	simm.s32 $0x10;
	s1 =	sand.u32 $0x70, s29;
	s0 =	sand.u32 $0x1E00, s28;
	v8 =	vand.u32 $0x7FFFFFFF, v8;
	v9 =	vsub.f32 v63, v15;
	v12 =	vadd.f32 v7, v5  }
0xf0: {  	s31 =	sor.u32 s1, s0;
	v13 =	vadd.f32 v8, v8;
	v5 =	vld [tilespmem:s30+$0x8800];
	v15 =	vsub.f32 v16, v6;
	v6 =	vsel vm15, $0x3F800000, v0  }
0xf1: {  	v11 =	vmin.f32 v8, $1.000000000e+00;
	v8 =	vld [tilespmem:s31+$0x4900];
	v16 =	vand.u32 $0x7FFFFFFF, v9;
	v17 =	vmul.f32 v12, v6  }
0xf2: {  	v3 =	vsel vm0, $0x3F800000, v0;
	v7 =	vld [tilespmem:s31+$0x4980];
	v13 =	vsub.f32 v13, v11;
	v14 =	vadd.f32 v16, v16  }
0xf3: {  	s30 =	simm.s32 $0xC0;
	v9 =	vld [tilespmem:s31+$0x6980];
	v12 =	vmin.f32 v16, $1.000000000e+00;
	v15 =	vand.u32 $0x7FFFFFFF, v15;
	v4 =	vadd.f32 v17, v4  }
.LBB2_8:
0xf4: {  	p0 =	sne.s32 s30, $0x1FC0;
	v16 =	vld [tilespmem:s31+$0x4800];
	v11 =	vmul.f32 v13, v11;
	v13 =	vsub.f32 v14, v12;
	v14 =	vadd.f32 v15, v15  }
0xf5: {  	v15 =	vmin.f32 v15, $1.000000000e+00;
	v18 =	vadd.f32 v10, v10;
	v17 =	vld [tilespmem:s31+$0x6800];
	vm0 =	vlt.f32 v5, $-1.000000000e+00  }
0xf6: {  	v19 =	vld [tilespmem:s31+$0x4880];
	v11 =	vadd.f32 $0.0e+00, v11;
	v12 =	vmul.f32 v13, v12;
	v13 =	vsub.f32 v14, v15  }
0xf7: {  	v10 =	vmin.f32 v10, $1.000000000e+00;
	v1 =	vadd.f32 v3, v1;
	vm1 =	vgt.f32 v5, $-1.000000000e+00;
	v14 =	vld [tilespmem:s31+$0x6880]  }
0xf8: {  	v20 =	vld [tilespmem:s31+$0x6900];
	v3 =	vadd.f32 v12, v11;
	v11 =	vmul.f32 v13, v15;
	v12 =	vsub.f32 v18, v10  }
0xf9: {  	v2 =	vadd.f32 v6, v2;
	vm0 =	vmor vm1, vm0  }
0xfa: {  	v6 =	vsub.f32 v16, v17;
	v11 =	vadd.f32 v11, v3;
	v10 =	vmul.f32 v12, v10  }
0xfb: {  	s29 =	sadd.s32 $0x10, s29;
	s0 =	sand.u32 $0x1E00, s30;
	vm1 =	vgt.f32 v5, $0.0e+00;
	v12 =	vsub.f32 v7, v9;
	v3 =	vsel vm0, $0x3F800000, v0  }
.Ltmp3:
0xfc: {  	s28 =	sshra.s32 s28, $0x2;
	s1 =	sand.u32 $0x70, s29;
	v9 =	vand.u32 $0x7FFFFFFF, v6;
	v13 =	vsub.f32 v19, v14;
	v10 =	vadd.f32 v10, v11;
	(pc) =	sbr.rel @p0 .LBB2_8-.Ltmp3, $4  }
0xfd: {  	s31 =	sor.u32 s1, s0;
	v6 =	vsel vm1, $0x3F800000, v0;
	v5 =	vld [tilespmem:s28+$0x8800];
	v14 =	vadd.f32 v9, v9;
	v15 =	vsub.f32 v8, v20;
	s28 =	smov.u32 s30  }
0xfe: {  	v11 =	vmin.f32 v9, $1.000000000e+00;
	v7 =	vld [tilespmem:s31+$0x4980];
	v16 =	vand.u32 $0x7FFFFFFF, v13;
	v17 =	vmul.f32 v10, v6  }
0xff: {  	v10 =	vand.u32 $0x7FFFFFFF, v12;
	v9 =	vld [tilespmem:s31+$0x6980];
	v13 =	vsub.f32 v14, v11;
	v14 =	vadd.f32 v16, v16  }
0x100: {  	s30 =	sadd.s32 $0x40, s30;
	v12 =	vmin.f32 v16, $1.000000000e+00;
	v15 =	vand.u32 $0x7FFFFFFF, v15;
	v8 =	vld [tilespmem:s31+$0x4900];
	v4 =	vadd.f32 v17, v4  }
0x101: {  	v16 =	vld [tilespmem:s31+$0x4800]  }
0x102: {  	v17 =	vld [tilespmem:s31+$0x6800]  }
0x103: {  	v18 =	vld [tilespmem:s31+$0x4880]  }
0x104: {  	v14 =	vsub.f32 v14, v12;
	v19 =	vld [tilespmem:s31+$0x6880];
	v11 =	vmul.f32 v13, v11;
	v42 =	vadd.f32 v15, v15  }
0x105: {  	v44 =	vmin.f32 v15, $1.000000000e+00;
	v45 =	vadd.f32 v10, v10;
	v48 =	vmin.f32 v10, $1.000000000e+00  }
0x106: {  	v43 =	vld [tilespmem:s31+$0x6900];
	v2 =	vadd.f32 v6, v2;
	vm0 =	vlt.f32 v5, $-1.000000000e+00;
	vm1 =	vgt.f32 v5, $-1.000000000e+00  }
0x107: {  	vm2 =	vgt.f32 v5, $0.0e+00;
	v11 =	vadd.f32 $0.0e+00, v11;
	v16 =	vsub.f32 v16, v17  }
0x108: {  	v12 =	vmul.f32 v14, v12;
	v13 =	vsub.f32 v42, v44;
	v54 =	vsub.f32 v45, v48  }
0x109: {  	v7 =	vsub.f32 v7, v9;
	v47 =	vsub.f32 v18, v19;
	v46 =	vand.u32 $0x7FFFFFFF, v16  }
0x10a: {  	vm0 =	vmor vm1, vm0;
	v11 =	vadd.f32 v12, v11;
	v49 =	vadd.f32 v46, v46  }
0x10b: {  	v8 =	vsub.f32 v8, v43;
	v50 =	vand.u32 $0x7FFFFFFF, v47;
	v12 =	vmin.f32 v46, $1.000000000e+00  }
0x10c: {  	v60 =	vsel vm2, $0x3F800000, v0;
	v51 =	vadd.f32 v50, v50;
	v9 =	vsub.f32 v49, v12  }
0x10d: {  	v7 =	vand.u32 $0x7FFFFFFF, v7;
	v8 =	vand.u32 $0x7FFFFFFF, v8;
	v14 =	vmin.f32 v50, $1.000000000e+00  }
0x10e: {  	v53 =	vadd.f32 v8, v8;
	v52 =	vsub.f32 v51, v14;
	v9 =	vmul.f32 v9, v12  }
0x10f: {  	s0 =	sshra.s32 s28, $0x2;
	v13 =	vmul.f32 v13, v44;
	v55 =	vadd.f32 v7, v7;
	v8 =	vmin.f32 v8, $1.000000000e+00  }
0x110: {  	v57 =	vld [tilespmem:s0+$0x8800];
	v56 =	vsub.f32 v53, v8;
	v12 =	vmul.f32 v52, v14;
	v9 =	vadd.f32 $0.0e+00, v9  }
0x111: {  	v10 =	vmul.f32 v54, v48;
	v11 =	vadd.f32 v13, v11;
	v7 =	vmin.f32 v7, $1.000000000e+00  }
0x112: {  	v58 =	vsub.f32 v55, v7;
	v8 =	vmul.f32 v56, v8;
	v9 =	vadd.f32 v12, v9  }
0x113: {  	v1 =	vadd.f32 v3, v1;
	v61 =	vsel vm0, $0x3F800000, v0;
	v2 =	vadd.f32 v60, v2  }
0x114: {  	v59 =	vadd.f32 v10, v11;
	v7 =	vmul.f32 v58, v7;
	v8 =	vadd.f32 v8, v9  }
0x115: {  	vm13 =	vgt.f32 v57, $0.0e+00;
	vm14 =	vlt.f32 v57, $-1.000000000e+00;
	vm15 =	vgt.f32 v57, $-1.000000000e+00  }
0x116: {  	vm0 =	vmor vm15, vm14;
	v5 =	vmul.f32 v59, v60;
	v7 =	vadd.f32 v7, v8  }
0x117: {  	v1 =	vadd.f32 v61, v1;
	v3 =	vsel vm13, $0x3F800000, v0;
	v63 =	vsel vm0, $0x3F800000, v0  }
0x118: {  	v2 =	vadd.f32 v3, v2;
	v4 =	vadd.f32 v5, v4;
	v62 =	vmul.f32 v7, v3  }
0x119: {  	v1 =	vadd.f32 v63, v1  }
0x11a: {  	s26 =	sadd.s32 $0x1, s26;
	[tilespmem:$0x9010] =	vst v2;
	v4 =	vadd.f32 v62, v4  }
0x11b: {  	p0 =	sne.s32 s26, s16;
	[tilespmem:$0x9020] =	vst v1  }
.Ltmp4:
0x11c: {  	[tilespmem:$0x9000] =	vst v4;
	(pc) =	sbr.rel @p0 .LBB2_1-.Ltmp4, $4  }
0x11d: {  	[hbm4b:s15+s2] =	stream.linear.scatter [tilespmem:s24], [sflag:$0x3], $0x80, $0x38;
	[tilespmem:$0x9080] =	vst v63  }
0x11e: {  	_ =	swait.ge [sflag:s25], $0x80  }
0x11f: {  	[sflag:s25] =	ssyncset.done $0x0  }
0x120: {  	[sflag:s25] =	ssyncadd.s32 $0xFFFFFF80  }
0x121: {  	_ =	sfence.sel $0x180000  }
0x122: {  	[bflag:$0x0] =	sbarrier.arrive $0xFFFF  }
0x123: {  	_ =	strace $0x90000047  }
0x124: {  	s0 =	stileid.u32;
	[bflag:$0x2] =	sbarrier.arrive $0xFFFF  }
0x125: {  	p0 =	sne.s32 s0, $0x0;
	s0 =	rddreg [dreg:$0x4]  }
0x126: {  	s0 =	sadd.s32 @!p0 $0x100000, s0  }
0x127: {  	[sflag:s0] =	ssyncadd.tile.s32 @!p0 $0x1;
	_ =	shalt  }
.Lfunc_end2:
_tile_overlayer_lowered:
.L_overlay_start_2:
0x128: {  	(tag) =	ssettag $0x2  }
0x129: {  	s0 =	rddreg [dreg:$0x0];
	s2 =	stileid.u32  }
0x12a: {  	s1 =	rddreg [dreg:$0x1];
	p0 =	sne.s32 s2, $0x0  }
0x12b: {  	s3 =	rddreg [dreg:$0x2];
	[bflag:$0x3] =	sbarrier.arrive $0xFFFF;
	s2 =	simm.s32 @!p0 $0x1C03  }
0x12c: {  	[timem:s3], [sflag:s2] =	dma.local @!p0 [hbm:s0], s1  }
0x12d: {  	s0 =	simm.s32 @!p0 $0x3  }
0x12e: {  	_ =	swait.ge @!p0 [sflag:s0], s1  }
0x12f: {  	s1 =	ssub.s32 @!p0 $0x0, s1;
	[sflag:s0] =	ssyncset.done @!p0 $0x0  }
0x130: {  	[sflag:s0] =	ssyncadd.s32 @!p0 s1  }
0x131: {  	[bflag:$0x3] =	sbarrier.arrive $0xFFFF  }
0x132: {  	_ =	shalt  }

</sc_bundles>
